<compile_context>
chip_gen: v7x
topology: tpu7x:2x2x1
jax: 0.10.2.dev20260603
libtpu: 0.0.44.dev20260713+nightly
codegen_flags: <defaults>
</compile_context>

<pallas_src>
import dataclasses

import jax
import jax.numpy as jnp
from jax import lax
from jax.experimental import pallas as pl
from jax.experimental.pallas import tpu as pltpu
from jax.experimental.pallas import tpu_sc as plsc

VOCAB = 1000000
EMBED = 64
N_CTX = 50
N_NEG = 20
LANES = 16
N_SUB = 16
CTX_SLOTS = 4
OUT_SLOTS = 2
SLOTS = CTX_SLOTS + OUT_SLOTS
N_PAD = N_SUB * SLOTS
NEG_BASE = N_SUB * CTX_SLOTS
TGT_ROW = NEG_BASE + 24
PART_BASE = N_PAD
PART_OFF = PART_BASE - NEG_BASE
TGT_OFF = TGT_ROW - NEG_BASE
TILE_L = 128
INV_CTX = 1.0 / N_CTX


def _softplus16(t):
    m = jnp.maximum(t, 0.0)
    u = jnp.exp(-jnp.abs(t))
    y = 1.0 + u
    x = u * (6.0 + u) / (6.0 + 4.0 * u)
    for _ in range(3):
        x = x + y * jnp.exp(-x) - 1.0
    return m + x


def _sc_body(ctx_hbm, neg_hbm, tgt_hbm, wt_in_hbm, wt_out_hbm, out_hbm,
             idx_v, blks_v, col_v, final_v, acc_v, scores_v, out_v,
             stage_shr, sem_a, sem_b):
    cid = lax.axis_index("c")
    sub = lax.axis_index("s")

    @pl.when(cid == 0)
    def _():
        io = lax.iota(jnp.int32, LANES)
        zero16f = jnp.zeros((LANES,), jnp.float32)

        idx_v[pl.ds(N_CTX - 2, LANES)] = jnp.zeros((LANES,), jnp.int32)
        idx_v[pl.ds(NEG_BASE + LANES, LANES)] = jnp.zeros((LANES,), jnp.int32)
        cp_ctx = pltpu.async_copy(ctx_hbm, idx_v.at[pl.ds(0, N_CTX)], sem_b)
        cp_neg = pltpu.async_copy(neg_hbm, idx_v.at[pl.ds(NEG_BASE, N_NEG)],
                                  sem_b)
        cp_tgt = pltpu.async_copy(tgt_hbm, idx_v.at[pl.ds(TGT_ROW, 1)], sem_b)

        def _fire(s, src):
            chunk = idx_v[pl.ds(pl.multiple_of(LANES * s, LANES), LANES)]
            r = jnp.sum(jnp.where(io == sub, chunk, 0))
            q128 = pl.multiple_of((r // TILE_L) * TILE_L, TILE_L)
            pltpu.async_copy(src.at[:, pl.ds(q128, TILE_L)],
                             blks_v.at[s], sem_a)

        live_pred = {3: sub < 2, 5: jnp.logical_or(sub < 4, sub == 8)}

        cp_ctx.wait()

        @pl.loop(0, CTX_SLOTS - 1)
        def _(s):
            _fire(s, wt_in_hbm)

        @pl.when(live_pred[3])
        def _():
            _fire(3, wt_in_hbm)

        cp_neg.wait()
        cp_tgt.wait()
        _fire(4, wt_out_hbm)

        @pl.when(live_pred[5])
        def _():
            _fire(5, wt_out_hbm)

        def _drain(s):
            pltpu.make_async_copy(wt_in_hbm.at[:, pl.ds(0, TILE_L)],
                                  blks_v.at[s], sem_a).wait()

        @pl.loop(0, CTX_SLOTS - 1)
        def _(s):
            _drain(s)

        @pl.when(live_pred[3])
        def _():
            _drain(3)
        _drain(4)

        @pl.when(live_pred[5])
        def _():
            _drain(5)

        def _cols(s):
            chunk = idx_v[pl.ds(pl.multiple_of(LANES * s, LANES), LANES)]
            r = jnp.sum(jnp.where(io == sub, chunk, 0))
            q = r - (r // TILE_L) * TILE_L
            colidx = jnp.full((LANES,), q, jnp.int32)
            return [plsc.load_gather(blks_v.at[s], [io + LANES * c, colidx])
                    for c in range(EMBED // LANES)]

        def _ctx_accum(s):
            vals = _cols(s)
            for c in range(EMBED // LANES):
                sl = pl.ds(LANES * c, LANES)
                acc_v[sl] = acc_v[sl] + vals[c]

        def _wout_stage(s):
            vals = _cols(s)
            for c in range(EMBED // LANES):
                col_v[s, pl.ds(LANES * c, LANES)] = vals[c]
            pltpu.async_copy(col_v.at[s], stage_shr.at[sub + LANES * s],
                             sem_b)

        def _wout_drain(s):
            pltpu.make_async_copy(col_v.at[s],
                                  stage_shr.at[sub + LANES * s],
                                  sem_b).wait()

        for c in range(EMBED // LANES):
            acc_v[pl.ds(LANES * c, LANES)] = zero16f

        @pl.loop(0, CTX_SLOTS - 1)
        def _(s):
            _ctx_accum(s)

        @pl.when(live_pred[3])
        def _():
            _ctx_accum(3)

        pltpu.async_copy(acc_v, stage_shr.at[PART_BASE + sub], sem_b)
        _wout_stage(4)

        @pl.when(live_pred[5])
        def _():
            _wout_stage(5)

        pltpu.make_async_copy(acc_v, stage_shr.at[PART_BASE + sub],
                              sem_b).wait()
        _wout_drain(4)

        @pl.when(live_pred[5])
        def _():
            _wout_drain(5)

        plsc.subcore_barrier()

        @pl.when(sub == 0)
        def _():
            pltpu.sync_copy(stage_shr.at[pl.ds(NEG_BASE, 48)], final_v)
            scores_v[pl.ds(0, LANES)] = zero16f
            scores_v[pl.ds(LANES, LANES)] = zero16f

            hs = [final_v[PART_OFF, pl.ds(LANES * c, LANES)]
                  for c in range(EMBED // LANES)]
            for i in range(1, N_SUB):
                for c in range(EMBED // LANES):
                    hs[c] = hs[c] + final_v[PART_OFF + i,
                                            pl.ds(LANES * c, LANES)]
            for c in range(EMBED // LANES):
                acc_v[pl.ds(LANES * c, LANES)] = hs[c]

            @pl.loop(0, N_NEG)
            def _(j):
                p = final_v[j, pl.ds(0, LANES)] * acc_v[pl.ds(0, LANES)]
                for c in range(1, EMBED // LANES):
                    sl = pl.ds(LANES * c, LANES)
                    p = p + final_v[j, sl] * acc_v[sl]
                s = jnp.sum(p) * INV_CTX
                plsc.store_scatter(scores_v, [jnp.full((LANES,), j, jnp.int32)],
                                   jnp.full((LANES,), s, jnp.float32),
                                   mask=io == 0)

            p = final_v[TGT_OFF, pl.ds(0, LANES)] * acc_v[pl.ds(0, LANES)]
            for c in range(1, EMBED // LANES):
                sl = pl.ds(LANES * c, LANES)
                p = p + final_v[TGT_OFF, sl] * acc_v[sl]
            s_pos = jnp.sum(p) * INV_CTX

            neg100 = jnp.full((LANES,), -100.0, jnp.float32)
            t0 = scores_v[pl.ds(0, LANES)]
            t1 = jnp.where(io < (N_NEG - LANES), scores_v[pl.ds(LANES, LANES)],
                           jnp.where(io == (N_NEG - LANES), -s_pos, neg100))
            loss = jnp.sum(_softplus16(t0)) + jnp.sum(_softplus16(t1))
            out_v[...] = jnp.full((LANES,), loss, jnp.float32)
            pltpu.sync_copy(out_v.at[pl.ds(0, 1)], out_hbm)


@jax.jit
def _cbow_loss(ctx, neg, tgt, wt_in, wt_out):
    mesh = plsc.VectorSubcoreMesh(core_axis_name="c", subcore_axis_name="s",
                                  num_cores=1, num_subcores=N_SUB)
    cp = pltpu.CompilerParams()
    if "needs_layout_passes" in pltpu.CompilerParams.__dataclass_fields__:
        cp = dataclasses.replace(cp, needs_layout_passes=False)
    cp = dataclasses.replace(cp, disable_bounds_checks=True)
    run = pl.kernel(
        _sc_body,
        out_type=jax.ShapeDtypeStruct((1,), jnp.float32),
        mesh=mesh,
        scratch_types=[
            pltpu.VMEM((N_PAD,), jnp.int32),
            pltpu.VMEM((SLOTS, EMBED, TILE_L), jnp.float32),
            pltpu.VMEM((SLOTS, EMBED), jnp.float32),
            pltpu.VMEM((48, EMBED), jnp.float32),
            pltpu.VMEM((EMBED,), jnp.float32),
            pltpu.VMEM((2 * LANES,), jnp.float32),
            pltpu.VMEM((LANES,), jnp.float32),
            pltpu.VMEM_SHARED((PART_BASE + N_SUB, EMBED), jnp.float32),
            pltpu.SemaphoreType.DMA,
            pltpu.SemaphoreType.DMA,
        ],
        compiler_params=cp,
    )
    return run(ctx, neg, tgt, wt_in, wt_out).reshape(())


def kernel(context_idxs, target_idx, negative_samples, W_in, W_out):
    return _cbow_loss(context_idxs.astype(jnp.int32),
                      negative_samples.astype(jnp.int32),
                      target_idx.reshape(1).astype(jnp.int32),
                      W_in.T, W_out.T)

# --- scband reference (transcript-rebuilt; emitter-appended) ---
"""Pipeline reference for scband-cbownegative-sampling-77455440216485 (READ-ONLY COPY).

The authoritative reference and input builder live on the scoring server;
editing this copy changes nothing except your own understanding.
"""

import jax, jax.numpy as jnp
import numpy as np

VOCAB = 1000000
EMBED = 64


def setup_inputs(seed: int = 0) -> dict:
    key = jax.random.key(seed)
    k1, k2, k3, k4, k5 = jax.random.split(key, 5)
    context_idxs = jax.random.randint(k1, (50,), 0, VOCAB, dtype=jnp.int64 if jax.config.jax_enable_x64 else jnp.int32)
    target_idx = jax.random.randint(k2, (), 0, VOCAB, dtype=jnp.int64 if jax.config.jax_enable_x64 else jnp.int32)
    negative_samples = jax.random.randint(k3, (20,), 0, VOCAB, dtype=jnp.int64 if jax.config.jax_enable_x64 else jnp.int32)
    # xavier_uniform for in_embeddings, xavier_normal for out_embeddings
    bound = float(np.sqrt(6.0 / (VOCAB + EMBED)))
    W_in = jax.random.uniform(k4, (VOCAB, EMBED), dtype=jnp.float32, minval=-bound, maxval=bound)
    std = float(np.sqrt(2.0 / (VOCAB + EMBED)))
    W_out = jax.random.normal(k5, (VOCAB, EMBED), dtype=jnp.float32) * std
    return {
        "context_idxs": context_idxs,
        "target_idx": target_idx,
        "negative_samples": negative_samples,
        "W_in": W_in,
        "W_out": W_out,
    }


def reference(context_idxs, target_idx, negative_samples, W_in, W_out):
    # h = mean of context input-embeddings (gather + reduce)
    h = jnp.mean(jnp.take(W_in, context_idxs, axis=0), axis=0)  # [EMBED]
    # positive score
    v_pos = W_out[target_idx]  # [EMBED]
    score_pos = jnp.dot(h, v_pos)
    loss_pos = -jnp.log(jax.nn.sigmoid(score_pos))
    # negative scores
    v_negs = jnp.take(W_out, negative_samples, axis=0)  # [K, EMBED]
    score_negs = v_negs @ h  # [K]
    loss_neg = -jnp.log(jax.nn.sigmoid(-score_negs))
    loss = loss_pos + jnp.sum(loss_neg)
    return loss

if __name__ == "__main__":
    import jax
    _d = setup_inputs()
    print(jax.jit(kernel)(*tuple(_d.values())))

</pallas_src>

<mosaic_0001>
#map = affine_map<(d0, d1) -> (0)>
#map1 = affine_map<(d0, d1) -> (0, 0)>
module attributes {stable_mosaic.version = 14 : i64} {
  func.func @_sc_body(%arg0: i32, %arg1: i32, %arg2: memref<50xi32, #tpu.memory_space<hbm>>, %arg3: memref<20xi32, #tpu.memory_space<hbm>>, %arg4: memref<1xi32, #tpu.memory_space<hbm>>, %arg5: memref<64x1000000xf32, #tpu.memory_space<hbm>>, %arg6: memref<64x1000000xf32, #tpu.memory_space<hbm>>, %arg7: memref<1xf32, #tpu.memory_space<hbm>>, %arg8: memref<96xi32, #tpu.memory_space<vmem>>, %arg9: memref<6x64x128xf32, #tpu.memory_space<vmem>>, %arg10: memref<6x64xf32, #tpu.memory_space<vmem>>, %arg11: memref<48x64xf32, #tpu.memory_space<vmem>>, %arg12: memref<64xf32, #tpu.memory_space<vmem>>, %arg13: memref<32xf32, #tpu.memory_space<vmem>>, %arg14: memref<16xf32, #tpu.memory_space<vmem>>, %arg15: memref<112x64xf32, #tpu.memory_space<vmem_shared>>, %arg16: memref<!tpu.dma_semaphore, #tpu.memory_space<semaphore_mem>>, %arg17: memref<!tpu.dma_semaphore, #tpu.memory_space<semaphore_mem>>) attributes {dimension_semantics = [#tpu.dimension_semantics<core_parallel>, #tpu.dimension_semantics<subcore_parallel>], iteration_bounds = array<i64: 1, 16>, scalar_prefetch = 0 : i64, scratch_operands = 10 : i64, tpu.core_type = #tpu.core_type<sc_vector_subcore>, window_params = [{transform_indices = #map}, {transform_indices = #map}, {transform_indices = #map}, {transform_indices = #map1}, {transform_indices = #map1}, {transform_indices = #map}]} {
    %eq3A = arith.constant 0 : i32
    %eq3A_0 = arith.cmpi eq, %arg0, %eq3A : i32
    %convert_element_type3A = arith.extui %eq3A_0 : i1 to i32
    %cond3A = arith.constant 0 : i32
    %cond3A_1 = arith.cmpi ne, %convert_element_type3A, %cond3A : i32
    scf.if %cond3A_1 {
      %iota3A = tpu.iota {dimensions = array<i32: 0>} : vector<16xi32>
      %broadcast_in_dim3A = arith.constant 0.000000e+00 : f32
      %broadcast_in_dim3A_2 = vector.broadcast %broadcast_in_dim3A : f32 to vector<16xf32>
      %broadcast_in_dim3A_3 = arith.constant 0 : i32
      %broadcast_in_dim3A_4 = vector.broadcast %broadcast_in_dim3A_3 : i32 to vector<16xi32>
      %swap3A = arith.constant 48 : index
      %swap3A_5 = tpu.vector_load %arg8[%swap3A] {strides = array<i32>} : memref<96xi32, #tpu.memory_space<vmem>>, vector<16xi32>,
      tpu.vector_store %arg8[%swap3A], %broadcast_in_dim3A_4 {strides = array<i32>} : memref<96xi32, #tpu.memory_space<vmem>>, vector<16xi32>,
      %broadcast_in_dim3A_6 = arith.constant 0 : i32
      %broadcast_in_dim3A_7 = vector.broadcast %broadcast_in_dim3A_6 : i32 to vector<16xi32>
      %swap3A_8 = arith.constant 80 : index
      %swap3A_9 = tpu.vector_load %arg8[%swap3A_8] {strides = array<i32>} : memref<96xi32, #tpu.memory_space<vmem>>, vector<16xi32>,
      tpu.vector_store %arg8[%swap3A_8], %broadcast_in_dim3A_7 {strides = array<i32>} : memref<96xi32, #tpu.memory_space<vmem>>, vector<16xi32>,
      %dma_start3A = arith.constant 0 : i32
      %dma_start3A_10 = tpu.memref_slice %arg8[%dma_start3A] : memref<96xi32, #tpu.memory_space<vmem>> -> memref<50xi32, #tpu.memory_space<vmem>>
      %dma_start3A_11 = arith.constant 0 : i32
      %dma_start3A_12 = tpu.memref_slice %arg8[%dma_start3A_11] : memref<96xi32, #tpu.memory_space<vmem>> -> memref<50xi32, #tpu.memory_space<vmem>>
      tpu.enqueue_dma source(%arg2 : memref<50xi32, #tpu.memory_space<hbm>>) target(%dma_start3A_12 : memref<50xi32, #tpu.memory_space<vmem>>) target_semaphore(%arg17 : memref<!tpu.dma_semaphore, #tpu.memory_space<semaphore_mem>>)
      %dma_start3A_13 = arith.constant 64 : i32
      %dma_start3A_14 = tpu.memref_slice %arg8[%dma_start3A_13] : memref<96xi32, #tpu.memory_space<vmem>> -> memref<20xi32, #tpu.memory_space<vmem>>
      %dma_start3A_15 = arith.constant 64 : i32
      %dma_start3A_16 = tpu.memref_slice %arg8[%dma_start3A_15] : memref<96xi32, #tpu.memory_space<vmem>> -> memref<20xi32, #tpu.memory_space<vmem>>
      tpu.enqueue_dma source(%arg3 : memref<20xi32, #tpu.memory_space<hbm>>) target(%dma_start3A_16 : memref<20xi32, #tpu.memory_space<vmem>>) target_semaphore(%arg17 : memref<!tpu.dma_semaphore, #tpu.memory_space<semaphore_mem>>)
      %dma_start3A_17 = arith.constant 88 : i32
      %dma_start3A_18 = tpu.memref_slice %arg8[%dma_start3A_17] : memref<96xi32, #tpu.memory_space<vmem>> -> memref<1xi32, #tpu.memory_space<vmem>>
      %dma_start3A_19 = arith.constant 88 : i32
      %dma_start3A_20 = tpu.memref_slice %arg8[%dma_start3A_19] : memref<96xi32, #tpu.memory_space<vmem>> -> memref<1xi32, #tpu.memory_space<vmem>>
      tpu.enqueue_dma source(%arg4 : memref<1xi32, #tpu.memory_space<hbm>>) target(%dma_start3A_20 : memref<1xi32, #tpu.memory_space<vmem>>) target_semaphore(%arg17 : memref<!tpu.dma_semaphore, #tpu.memory_space<semaphore_mem>>)
      %lt3A = arith.constant 2 : i32
      %lt3A_21 = arith.cmpi slt, %arg1, %lt3A : i32
      %lt3A_22 = arith.constant 4 : i32
      %lt3A_23 = arith.cmpi slt, %arg1, %lt3A_22 : i32
      %eq3A_24 = arith.constant 8 : i32
      %eq3A_25 = arith.cmpi eq, %arg1, %eq3A_24 : i32
      %or3A = arith.ori %lt3A_23, %eq3A_25 : i1
      %dma_wait3A = arith.constant 0 : i32
      %dma_wait3A_26 = tpu.memref_slice %arg8[%dma_wait3A] : memref<96xi32, #tpu.memory_space<vmem>> -> memref<50xi32, #tpu.memory_space<vmem>>
      %dma_wait3A_27 = arith.constant 0 : i32
      %dma_wait3A_28 = tpu.memref_slice %arg8[%dma_wait3A_27] : memref<96xi32, #tpu.memory_space<vmem>> -> memref<50xi32, #tpu.memory_space<vmem>>
      tpu.wait_dma2 semaphore(%arg17 : memref<!tpu.dma_semaphore, #tpu.memory_space<semaphore_mem>>) src(%arg2 : memref<50xi32, #tpu.memory_space<hbm>>) dst(%dma_wait3A_28 : memref<50xi32, #tpu.memory_space<vmem>>)
      %scan3A = arith.constant 0 : i32
      %scan3A_29 = arith.constant 3 : i32
      %scan3A_30 = arith.addi %scan3A, %scan3A_29 : i32
      %scan3A_31 = arith.constant 1 : i32
      scf.for %scan3A_278 = %scan3A to %scan3A_30 step %scan3A_31  : i32 {
        %mul3A_279 = arith.constant 1 : i32
        %mul3A_280 = arith.muli %scan3A_278, %mul3A_279 : i32
        %add3A_281 = arith.constant 0 : i32
        %add3A_282 = arith.addi %add3A_281, %mul3A_280 : i32
        %mul3A_283 = arith.constant 16 : i32
        %mul3A_284 = arith.muli %mul3A_283, %add3A_282 : i32
        %multiple_of3A_285 = tpu.assume_multiple %mul3A_284, 16 : i32
        %get3A_286 = arith.index_cast %multiple_of3A_285 : i32 to index
        %get3A_287 = tpu.vector_load %arg8[%get3A_286] {strides = array<i32>} : memref<96xi32, #tpu.memory_space<vmem>>, vector<16xi32>,
        %eq3A_288 = vector.broadcast %arg1 : i32 to vector<16xi32>
        %eq3A_289 = arith.cmpi eq, %iota3A, %eq3A_288 : vector<16xi32>
        %jit3A_290 = arith.constant 0 : i32
        %broadcast_in_dim3A_291 = vector.broadcast %jit3A_290 : i32 to vector<16xi32>
        %select_n3A_292 = arith.select %eq3A_289, %get3A_287, %broadcast_in_dim3A_291 : vector<16xi1>, vector<16xi32>
        %reduce_sum3A_293 = arith.constant true
        %reduce_sum3A_294 = vector.broadcast %reduce_sum3A_293 : i1 to vector<16xi1>
        %reduce_sum3A_295 = tpu.scan <sum>, %select_n3A_292 masked %reduce_sum3A_294 : vector<16xi32>, vector<16xi1> -> vector<16xi32>
        %reduce_sum3A_296 = vector.extract %reduce_sum3A_295[15] : i32 from vector<16xi32>
        %jit3A_297 = arith.constant 128 : i32
        %div3A_298 = arith.divsi %reduce_sum3A_296, %jit3A_297 : i32
        %sign3A_299 = arith.constant 0 : i32
        %sign3A_300 = arith.cmpi sgt, %reduce_sum3A_296, %sign3A_299 : i32
        %sign3A_301 = arith.extui %sign3A_300 : i1 to i32
        %sign3A_302 = arith.constant 0 : i32
        %sign3A_303 = arith.cmpi slt, %reduce_sum3A_296, %sign3A_302 : i32
        %sign3A_304 = arith.extui %sign3A_303 : i1 to i32
        %sign3A_305 = arith.subi %sign3A_301, %sign3A_304 : i32
        %sign3A_306 = arith.constant 0 : i32
        %sign3A_307 = arith.cmpi sgt, %jit3A_297, %sign3A_306 : i32
        %sign3A_308 = arith.extui %sign3A_307 : i1 to i32
        %sign3A_309 = arith.constant 0 : i32
        %sign3A_310 = arith.cmpi slt, %jit3A_297, %sign3A_309 : i32
        %sign3A_311 = arith.extui %sign3A_310 : i1 to i32
        %sign3A_312 = arith.subi %sign3A_308, %sign3A_311 : i32
        %ne3A_313 = arith.cmpi ne, %sign3A_305, %sign3A_312 : i32
        %rem3A_314 = arith.remsi %reduce_sum3A_296, %jit3A_297 : i32
        %ne3A_315 = arith.constant 0 : i32
        %ne3A_316 = arith.cmpi ne, %rem3A_314, %ne3A_315 : i32
        %and3A_317 = arith.andi %ne3A_313, %ne3A_316 : i1
        %sub3A_318 = arith.constant 1 : i32
        %sub3A_319 = arith.subi %div3A_298, %sub3A_318 : i32
        %select_n3A_320 = arith.select %and3A_317, %sub3A_319, %div3A_298 : i32
        %mul3A_321 = arith.constant 128 : i32
        %mul3A_322 = arith.muli %select_n3A_320, %mul3A_321 : i32
        %multiple_of3A_323 = tpu.assume_multiple %mul3A_322, 128 : i32
        %dma_start3A_324 = arith.constant 0 : i32
        %dma_start3A_325 = arith.constant 0 : i32
        %dma_start3A_326 = tpu.memref_slice %arg9[%add3A_282, %dma_start3A_324, %dma_start3A_325] : memref<6x64x128xf32, #tpu.memory_space<vmem>> -> memref<1x64x128xf32, #tpu.memory_space<vmem>>
        %dma_start3A_327 = tpu.memref_squeeze %dma_start3A_326 : memref<1x64x128xf32, #tpu.memory_space<vmem>> -> memref<64x128xf32, #tpu.memory_space<vmem>>
        %dma_start3A_328 = arith.constant 0 : i32
        %dma_start3A_329 = tpu.memref_slice %arg5[%dma_start3A_328, %multiple_of3A_323] : memref<64x1000000xf32, #tpu.memory_space<hbm>> -> memref<64x128xf32, #tpu.memory_space<hbm>>
        %dma_start3A_330 = arith.constant 0 : i32
        %dma_start3A_331 = arith.constant 0 : i32
        %dma_start3A_332 = tpu.memref_slice %arg9[%add3A_282, %dma_start3A_330, %dma_start3A_331] : memref<6x64x128xf32, #tpu.memory_space<vmem>> -> memref<1x64x128xf32, #tpu.memory_space<vmem>>
        %dma_start3A_333 = tpu.memref_squeeze %dma_start3A_332 : memref<1x64x128xf32, #tpu.memory_space<vmem>> -> memref<64x128xf32, #tpu.memory_space<vmem>>
        %dma_start3A_334 = arith.constant 0 : i32
        %dma_start3A_335 = tpu.memref_slice %arg5[%dma_start3A_334, %multiple_of3A_323] : memref<64x1000000xf32, #tpu.memory_space<hbm>> -> memref<64x128xf32, #tpu.memory_space<hbm>>
        tpu.enqueue_dma source(%dma_start3A_335 : memref<64x128xf32, #tpu.memory_space<hbm>>) target(%dma_start3A_333 : memref<64x128xf32, #tpu.memory_space<vmem>>) target_semaphore(%arg16 : memref<!tpu.dma_semaphore, #tpu.memory_space<semaphore_mem>>)
      }
      %scan3A_32 = arith.constant 3 : i32
      %convert_element_type3A_33 = arith.extui %lt3A_21 : i1 to i32
      %cond3A_34 = arith.constant 0 : i32
      %cond3A_35 = arith.cmpi ne, %convert_element_type3A_33, %cond3A_34 : i32
      scf.if %cond3A_35 {
        %multiple_of3A_278 = arith.constant 48 : i32
        %multiple_of3A_279 = tpu.assume_multiple %multiple_of3A_278, 16 : i32
        %get3A_280 = arith.index_cast %multiple_of3A_279 : i32 to index
        %get3A_281 = tpu.vector_load %arg8[%get3A_280] {strides = array<i32>} : memref<96xi32, #tpu.memory_space<vmem>>, vector<16xi32>,
        %eq3A_282 = vector.broadcast %arg1 : i32 to vector<16xi32>
        %eq3A_283 = arith.cmpi eq, %iota3A, %eq3A_282 : vector<16xi32>
        %jit3A_284 = arith.constant 0 : i32
        %broadcast_in_dim3A_285 = vector.broadcast %jit3A_284 : i32 to vector<16xi32>
        %select_n3A_286 = arith.select %eq3A_283, %get3A_281, %broadcast_in_dim3A_285 : vector<16xi1>, vector<16xi32>
        %reduce_sum3A_287 = arith.constant true
        %reduce_sum3A_288 = vector.broadcast %reduce_sum3A_287 : i1 to vector<16xi1>
        %reduce_sum3A_289 = tpu.scan <sum>, %select_n3A_286 masked %reduce_sum3A_288 : vector<16xi32>, vector<16xi1> -> vector<16xi32>
        %reduce_sum3A_290 = vector.extract %reduce_sum3A_289[15] : i32 from vector<16xi32>
        %jit3A_291 = arith.constant 128 : i32
        %div3A_292 = arith.divsi %reduce_sum3A_290, %jit3A_291 : i32
        %sign3A_293 = arith.constant 0 : i32
        %sign3A_294 = arith.cmpi sgt, %reduce_sum3A_290, %sign3A_293 : i32
        %sign3A_295 = arith.extui %sign3A_294 : i1 to i32
        %sign3A_296 = arith.constant 0 : i32
        %sign3A_297 = arith.cmpi slt, %reduce_sum3A_290, %sign3A_296 : i32
        %sign3A_298 = arith.extui %sign3A_297 : i1 to i32
        %sign3A_299 = arith.subi %sign3A_295, %sign3A_298 : i32
        %sign3A_300 = arith.constant 0 : i32
        %sign3A_301 = arith.cmpi sgt, %jit3A_291, %sign3A_300 : i32
        %sign3A_302 = arith.extui %sign3A_301 : i1 to i32
        %sign3A_303 = arith.constant 0 : i32
        %sign3A_304 = arith.cmpi slt, %jit3A_291, %sign3A_303 : i32
        %sign3A_305 = arith.extui %sign3A_304 : i1 to i32
        %sign3A_306 = arith.subi %sign3A_302, %sign3A_305 : i32
        %ne3A_307 = arith.cmpi ne, %sign3A_299, %sign3A_306 : i32
        %rem3A_308 = arith.remsi %reduce_sum3A_290, %jit3A_291 : i32
        %ne3A_309 = arith.constant 0 : i32
        %ne3A_310 = arith.cmpi ne, %rem3A_308, %ne3A_309 : i32
        %and3A_311 = arith.andi %ne3A_307, %ne3A_310 : i1
        %sub3A_312 = arith.constant 1 : i32
        %sub3A_313 = arith.subi %div3A_292, %sub3A_312 : i32
        %select_n3A_314 = arith.select %and3A_311, %sub3A_313, %div3A_292 : i32
        %mul3A_315 = arith.constant 128 : i32
        %mul3A_316 = arith.muli %select_n3A_314, %mul3A_315 : i32
        %multiple_of3A_317 = tpu.assume_multiple %mul3A_316, 128 : i32
        %dma_start3A_318 = arith.constant 3 : i32
        %dma_start3A_319 = arith.constant 0 : i32
        %dma_start3A_320 = arith.constant 0 : i32
        %dma_start3A_321 = tpu.memref_slice %arg9[%dma_start3A_318, %dma_start3A_319, %dma_start3A_320] : memref<6x64x128xf32, #tpu.memory_space<vmem>> -> memref<1x64x128xf32, #tpu.memory_space<vmem>>
        %dma_start3A_322 = tpu.memref_squeeze %dma_start3A_321 : memref<1x64x128xf32, #tpu.memory_space<vmem>> -> memref<64x128xf32, #tpu.memory_space<vmem>>
        %dma_start3A_323 = arith.constant 0 : i32
        %dma_start3A_324 = tpu.memref_slice %arg5[%dma_start3A_323, %multiple_of3A_317] : memref<64x1000000xf32, #tpu.memory_space<hbm>> -> memref<64x128xf32, #tpu.memory_space<hbm>>
        %dma_start3A_325 = arith.constant 0 : i32
        %dma_start3A_326 = arith.constant 0 : i32
        %dma_start3A_327 = tpu.memref_slice %arg9[%dma_start3A_318, %dma_start3A_325, %dma_start3A_326] : memref<6x64x128xf32, #tpu.memory_space<vmem>> -> memref<1x64x128xf32, #tpu.memory_space<vmem>>
        %dma_start3A_328 = tpu.memref_squeeze %dma_start3A_327 : memref<1x64x128xf32, #tpu.memory_space<vmem>> -> memref<64x128xf32, #tpu.memory_space<vmem>>
        %dma_start3A_329 = arith.constant 0 : i32
        %dma_start3A_330 = tpu.memref_slice %arg5[%dma_start3A_329, %multiple_of3A_317] : memref<64x1000000xf32, #tpu.memory_space<hbm>> -> memref<64x128xf32, #tpu.memory_space<hbm>>
        tpu.enqueue_dma source(%dma_start3A_330 : memref<64x128xf32, #tpu.memory_space<hbm>>) target(%dma_start3A_328 : memref<64x128xf32, #tpu.memory_space<vmem>>) target_semaphore(%arg16 : memref<!tpu.dma_semaphore, #tpu.memory_space<semaphore_mem>>)
      } else {
      }
      %dma_wait3A_36 = arith.constant 64 : i32
      %dma_wait3A_37 = tpu.memref_slice %arg8[%dma_wait3A_36] : memref<96xi32, #tpu.memory_space<vmem>> -> memref<20xi32, #tpu.memory_space<vmem>>
      %dma_wait3A_38 = arith.constant 64 : i32
      %dma_wait3A_39 = tpu.memref_slice %arg8[%dma_wait3A_38] : memref<96xi32, #tpu.memory_space<vmem>> -> memref<20xi32, #tpu.memory_space<vmem>>
      tpu.wait_dma2 semaphore(%arg17 : memref<!tpu.dma_semaphore, #tpu.memory_space<semaphore_mem>>) src(%arg3 : memref<20xi32, #tpu.memory_space<hbm>>) dst(%dma_wait3A_39 : memref<20xi32, #tpu.memory_space<vmem>>)
      %dma_wait3A_40 = arith.constant 88 : i32
      %dma_wait3A_41 = tpu.memref_slice %arg8[%dma_wait3A_40] : memref<96xi32, #tpu.memory_space<vmem>> -> memref<1xi32, #tpu.memory_space<vmem>>
      %dma_wait3A_42 = arith.constant 88 : i32
      %dma_wait3A_43 = tpu.memref_slice %arg8[%dma_wait3A_42] : memref<96xi32, #tpu.memory_space<vmem>> -> memref<1xi32, #tpu.memory_space<vmem>>
      tpu.wait_dma2 semaphore(%arg17 : memref<!tpu.dma_semaphore, #tpu.memory_space<semaphore_mem>>) src(%arg4 : memref<1xi32, #tpu.memory_space<hbm>>) dst(%dma_wait3A_43 : memref<1xi32, #tpu.memory_space<vmem>>)
      %multiple_of3A = arith.constant 64 : i32
      %multiple_of3A_44 = tpu.assume_multiple %multiple_of3A, 16 : i32
      %get3A = arith.index_cast %multiple_of3A_44 : i32 to index
      %get3A_45 = tpu.vector_load %arg8[%get3A] {strides = array<i32>} : memref<96xi32, #tpu.memory_space<vmem>>, vector<16xi32>,
      %eq3A_46 = vector.broadcast %arg1 : i32 to vector<16xi32>
      %eq3A_47 = arith.cmpi eq, %iota3A, %eq3A_46 : vector<16xi32>
      %jit3A = arith.constant 0 : i32
      %broadcast_in_dim3A_48 = vector.broadcast %jit3A : i32 to vector<16xi32>
      %select_n3A = arith.select %eq3A_47, %get3A_45, %broadcast_in_dim3A_48 : vector<16xi1>, vector<16xi32>
      %reduce_sum3A = arith.constant true
      %reduce_sum3A_49 = vector.broadcast %reduce_sum3A : i1 to vector<16xi1>
      %reduce_sum3A_50 = tpu.scan <sum>, %select_n3A masked %reduce_sum3A_49 : vector<16xi32>, vector<16xi1> -> vector<16xi32>
      %reduce_sum3A_51 = vector.extract %reduce_sum3A_50[15] : i32 from vector<16xi32>
      %jit3A_52 = arith.constant 128 : i32
      %div3A = arith.divsi %reduce_sum3A_51, %jit3A_52 : i32
      %sign3A = arith.constant 0 : i32
      %sign3A_53 = arith.cmpi sgt, %reduce_sum3A_51, %sign3A : i32
      %sign3A_54 = arith.extui %sign3A_53 : i1 to i32
      %sign3A_55 = arith.constant 0 : i32
      %sign3A_56 = arith.cmpi slt, %reduce_sum3A_51, %sign3A_55 : i32
      %sign3A_57 = arith.extui %sign3A_56 : i1 to i32
      %sign3A_58 = arith.subi %sign3A_54, %sign3A_57 : i32
      %sign3A_59 = arith.constant 0 : i32
      %sign3A_60 = arith.cmpi sgt, %jit3A_52, %sign3A_59 : i32
      %sign3A_61 = arith.extui %sign3A_60 : i1 to i32
      %sign3A_62 = arith.constant 0 : i32
      %sign3A_63 = arith.cmpi slt, %jit3A_52, %sign3A_62 : i32
      %sign3A_64 = arith.extui %sign3A_63 : i1 to i32
      %sign3A_65 = arith.subi %sign3A_61, %sign3A_64 : i32
      %ne3A = arith.cmpi ne, %sign3A_58, %sign3A_65 : i32
      %rem3A = arith.remsi %reduce_sum3A_51, %jit3A_52 : i32
      %ne3A_66 = arith.constant 0 : i32
      %ne3A_67 = arith.cmpi ne, %rem3A, %ne3A_66 : i32
      %and3A = arith.andi %ne3A, %ne3A_67 : i1
      %sub3A = arith.constant 1 : i32
      %sub3A_68 = arith.subi %div3A, %sub3A : i32
      %select_n3A_69 = arith.select %and3A, %sub3A_68, %div3A : i32
      %mul3A = arith.constant 128 : i32
      %mul3A_70 = arith.muli %select_n3A_69, %mul3A : i32
      %multiple_of3A_71 = tpu.assume_multiple %mul3A_70, 128 : i32
      %dma_start3A_72 = arith.constant 4 : i32
      %dma_start3A_73 = arith.constant 0 : i32
      %dma_start3A_74 = arith.constant 0 : i32
      %dma_start3A_75 = tpu.memref_slice %arg9[%dma_start3A_72, %dma_start3A_73, %dma_start3A_74] : memref<6x64x128xf32, #tpu.memory_space<vmem>> -> memref<1x64x128xf32, #tpu.memory_space<vmem>>
      %dma_start3A_76 = tpu.memref_squeeze %dma_start3A_75 : memref<1x64x128xf32, #tpu.memory_space<vmem>> -> memref<64x128xf32, #tpu.memory_space<vmem>>
      %dma_start3A_77 = arith.constant 0 : i32
      %dma_start3A_78 = tpu.memref_slice %arg6[%dma_start3A_77, %multiple_of3A_71] : memref<64x1000000xf32, #tpu.memory_space<hbm>> -> memref<64x128xf32, #tpu.memory_space<hbm>>
      %dma_start3A_79 = arith.constant 0 : i32
      %dma_start3A_80 = arith.constant 0 : i32
      %dma_start3A_81 = tpu.memref_slice %arg9[%dma_start3A_72, %dma_start3A_79, %dma_start3A_80] : memref<6x64x128xf32, #tpu.memory_space<vmem>> -> memref<1x64x128xf32, #tpu.memory_space<vmem>>
      %dma_start3A_82 = tpu.memref_squeeze %dma_start3A_81 : memref<1x64x128xf32, #tpu.memory_space<vmem>> -> memref<64x128xf32, #tpu.memory_space<vmem>>
      %dma_start3A_83 = arith.constant 0 : i32
      %dma_start3A_84 = tpu.memref_slice %arg6[%dma_start3A_83, %multiple_of3A_71] : memref<64x1000000xf32, #tpu.memory_space<hbm>> -> memref<64x128xf32, #tpu.memory_space<hbm>>
      tpu.enqueue_dma source(%dma_start3A_84 : memref<64x128xf32, #tpu.memory_space<hbm>>) target(%dma_start3A_82 : memref<64x128xf32, #tpu.memory_space<vmem>>) target_semaphore(%arg16 : memref<!tpu.dma_semaphore, #tpu.memory_space<semaphore_mem>>)
      %convert_element_type3A_85 = arith.extui %or3A : i1 to i32
      %cond3A_86 = arith.constant 0 : i32
      %cond3A_87 = arith.cmpi ne, %convert_element_type3A_85, %cond3A_86 : i32
      scf.if %cond3A_87 {
        %multiple_of3A_278 = arith.constant 80 : i32
        %multiple_of3A_279 = tpu.assume_multiple %multiple_of3A_278, 16 : i32
        %get3A_280 = arith.index_cast %multiple_of3A_279 : i32 to index
        %get3A_281 = tpu.vector_load %arg8[%get3A_280] {strides = array<i32>} : memref<96xi32, #tpu.memory_space<vmem>>, vector<16xi32>,
        %eq3A_282 = vector.broadcast %arg1 : i32 to vector<16xi32>
        %eq3A_283 = arith.cmpi eq, %iota3A, %eq3A_282 : vector<16xi32>
        %jit3A_284 = arith.constant 0 : i32
        %broadcast_in_dim3A_285 = vector.broadcast %jit3A_284 : i32 to vector<16xi32>
        %select_n3A_286 = arith.select %eq3A_283, %get3A_281, %broadcast_in_dim3A_285 : vector<16xi1>, vector<16xi32>
        %reduce_sum3A_287 = arith.constant true
        %reduce_sum3A_288 = vector.broadcast %reduce_sum3A_287 : i1 to vector<16xi1>
        %reduce_sum3A_289 = tpu.scan <sum>, %select_n3A_286 masked %reduce_sum3A_288 : vector<16xi32>, vector<16xi1> -> vector<16xi32>
        %reduce_sum3A_290 = vector.extract %reduce_sum3A_289[15] : i32 from vector<16xi32>
        %jit3A_291 = arith.constant 128 : i32
        %div3A_292 = arith.divsi %reduce_sum3A_290, %jit3A_291 : i32
        %sign3A_293 = arith.constant 0 : i32
        %sign3A_294 = arith.cmpi sgt, %reduce_sum3A_290, %sign3A_293 : i32
        %sign3A_295 = arith.extui %sign3A_294 : i1 to i32
        %sign3A_296 = arith.constant 0 : i32
        %sign3A_297 = arith.cmpi slt, %reduce_sum3A_290, %sign3A_296 : i32
        %sign3A_298 = arith.extui %sign3A_297 : i1 to i32
        %sign3A_299 = arith.subi %sign3A_295, %sign3A_298 : i32
        %sign3A_300 = arith.constant 0 : i32
        %sign3A_301 = arith.cmpi sgt, %jit3A_291, %sign3A_300 : i32
        %sign3A_302 = arith.extui %sign3A_301 : i1 to i32
        %sign3A_303 = arith.constant 0 : i32
        %sign3A_304 = arith.cmpi slt, %jit3A_291, %sign3A_303 : i32
        %sign3A_305 = arith.extui %sign3A_304 : i1 to i32
        %sign3A_306 = arith.subi %sign3A_302, %sign3A_305 : i32
        %ne3A_307 = arith.cmpi ne, %sign3A_299, %sign3A_306 : i32
        %rem3A_308 = arith.remsi %reduce_sum3A_290, %jit3A_291 : i32
        %ne3A_309 = arith.constant 0 : i32
        %ne3A_310 = arith.cmpi ne, %rem3A_308, %ne3A_309 : i32
        %and3A_311 = arith.andi %ne3A_307, %ne3A_310 : i1
        %sub3A_312 = arith.constant 1 : i32
        %sub3A_313 = arith.subi %div3A_292, %sub3A_312 : i32
        %select_n3A_314 = arith.select %and3A_311, %sub3A_313, %div3A_292 : i32
        %mul3A_315 = arith.constant 128 : i32
        %mul3A_316 = arith.muli %select_n3A_314, %mul3A_315 : i32
        %multiple_of3A_317 = tpu.assume_multiple %mul3A_316, 128 : i32
        %dma_start3A_318 = arith.constant 5 : i32
        %dma_start3A_319 = arith.constant 0 : i32
        %dma_start3A_320 = arith.constant 0 : i32
        %dma_start3A_321 = tpu.memref_slice %arg9[%dma_start3A_318, %dma_start3A_319, %dma_start3A_320] : memref<6x64x128xf32, #tpu.memory_space<vmem>> -> memref<1x64x128xf32, #tpu.memory_space<vmem>>
        %dma_start3A_322 = tpu.memref_squeeze %dma_start3A_321 : memref<1x64x128xf32, #tpu.memory_space<vmem>> -> memref<64x128xf32, #tpu.memory_space<vmem>>
        %dma_start3A_323 = arith.constant 0 : i32
        %dma_start3A_324 = tpu.memref_slice %arg6[%dma_start3A_323, %multiple_of3A_317] : memref<64x1000000xf32, #tpu.memory_space<hbm>> -> memref<64x128xf32, #tpu.memory_space<hbm>>
        %dma_start3A_325 = arith.constant 0 : i32
        %dma_start3A_326 = arith.constant 0 : i32
        %dma_start3A_327 = tpu.memref_slice %arg9[%dma_start3A_318, %dma_start3A_325, %dma_start3A_326] : memref<6x64x128xf32, #tpu.memory_space<vmem>> -> memref<1x64x128xf32, #tpu.memory_space<vmem>>
        %dma_start3A_328 = tpu.memref_squeeze %dma_start3A_327 : memref<1x64x128xf32, #tpu.memory_space<vmem>> -> memref<64x128xf32, #tpu.memory_space<vmem>>
        %dma_start3A_329 = arith.constant 0 : i32
        %dma_start3A_330 = tpu.memref_slice %arg6[%dma_start3A_329, %multiple_of3A_317] : memref<64x1000000xf32, #tpu.memory_space<hbm>> -> memref<64x128xf32, #tpu.memory_space<hbm>>
        tpu.enqueue_dma source(%dma_start3A_330 : memref<64x128xf32, #tpu.memory_space<hbm>>) target(%dma_start3A_328 : memref<64x128xf32, #tpu.memory_space<vmem>>) target_semaphore(%arg16 : memref<!tpu.dma_semaphore, #tpu.memory_space<semaphore_mem>>)
      } else {
      }
      %scan3A_88 = arith.constant 0 : i32
      %scan3A_89 = arith.constant 3 : i32
      %scan3A_90 = arith.addi %scan3A_88, %scan3A_89 : i32
      %scan3A_91 = arith.constant 1 : i32
      scf.for %scan3A_278 = %scan3A_88 to %scan3A_90 step %scan3A_91  : i32 {
        %mul3A_279 = arith.constant 1 : i32
        %mul3A_280 = arith.muli %scan3A_278, %mul3A_279 : i32
        %add3A_281 = arith.constant 0 : i32
        %add3A_282 = arith.addi %add3A_281, %mul3A_280 : i32
        %dma_wait3A_283 = arith.constant 0 : i32
        %dma_wait3A_284 = arith.constant 0 : i32
        %dma_wait3A_285 = tpu.memref_slice %arg9[%add3A_282, %dma_wait3A_283, %dma_wait3A_284] : memref<6x64x128xf32, #tpu.memory_space<vmem>> -> memref<1x64x128xf32, #tpu.memory_space<vmem>>
        %dma_wait3A_286 = tpu.memref_squeeze %dma_wait3A_285 : memref<1x64x128xf32, #tpu.memory_space<vmem>> -> memref<64x128xf32, #tpu.memory_space<vmem>>
        %dma_wait3A_287 = arith.constant 0 : i32
        %dma_wait3A_288 = arith.constant 0 : i32
        %dma_wait3A_289 = tpu.memref_slice %arg5[%dma_wait3A_287, %dma_wait3A_288] : memref<64x1000000xf32, #tpu.memory_space<hbm>> -> memref<64x128xf32, #tpu.memory_space<hbm>>
        %dma_wait3A_290 = arith.constant 0 : i32
        %dma_wait3A_291 = arith.constant 0 : i32
        %dma_wait3A_292 = tpu.memref_slice %arg9[%add3A_282, %dma_wait3A_290, %dma_wait3A_291] : memref<6x64x128xf32, #tpu.memory_space<vmem>> -> memref<1x64x128xf32, #tpu.memory_space<vmem>>
        %dma_wait3A_293 = tpu.memref_squeeze %dma_wait3A_292 : memref<1x64x128xf32, #tpu.memory_space<vmem>> -> memref<64x128xf32, #tpu.memory_space<vmem>>
        %dma_wait3A_294 = arith.constant 0 : i32
        %dma_wait3A_295 = arith.constant 0 : i32
        %dma_wait3A_296 = tpu.memref_slice %arg5[%dma_wait3A_294, %dma_wait3A_295] : memref<64x1000000xf32, #tpu.memory_space<hbm>> -> memref<64x128xf32, #tpu.memory_space<hbm>>
        tpu.wait_dma2 semaphore(%arg16 : memref<!tpu.dma_semaphore, #tpu.memory_space<semaphore_mem>>) src(%dma_wait3A_296 : memref<64x128xf32, #tpu.memory_space<hbm>>) dst(%dma_wait3A_293 : memref<64x128xf32, #tpu.memory_space<vmem>>)
      }
      %scan3A_92 = arith.constant 3 : i32
      %convert_element_type3A_93 = arith.extui %lt3A_21 : i1 to i32
      %cond3A_94 = arith.constant 0 : i32
      %cond3A_95 = arith.cmpi ne, %convert_element_type3A_93, %cond3A_94 : i32
      scf.if %cond3A_95 {
        %dma_wait3A_278 = arith.constant 3 : i32
        %dma_wait3A_279 = arith.constant 0 : i32
        %dma_wait3A_280 = arith.constant 0 : i32
        %dma_wait3A_281 = tpu.memref_slice %arg9[%dma_wait3A_278, %dma_wait3A_279, %dma_wait3A_280] : memref<6x64x128xf32, #tpu.memory_space<vmem>> -> memref<1x64x128xf32, #tpu.memory_space<vmem>>
        %dma_wait3A_282 = tpu.memref_squeeze %dma_wait3A_281 : memref<1x64x128xf32, #tpu.memory_space<vmem>> -> memref<64x128xf32, #tpu.memory_space<vmem>>
        %dma_wait3A_283 = arith.constant 0 : i32
        %dma_wait3A_284 = arith.constant 0 : i32
        %dma_wait3A_285 = tpu.memref_slice %arg5[%dma_wait3A_283, %dma_wait3A_284] : memref<64x1000000xf32, #tpu.memory_space<hbm>> -> memref<64x128xf32, #tpu.memory_space<hbm>>
        %dma_wait3A_286 = arith.constant 0 : i32
        %dma_wait3A_287 = arith.constant 0 : i32
        %dma_wait3A_288 = tpu.memref_slice %arg9[%dma_wait3A_278, %dma_wait3A_286, %dma_wait3A_287] : memref<6x64x128xf32, #tpu.memory_space<vmem>> -> memref<1x64x128xf32, #tpu.memory_space<vmem>>
        %dma_wait3A_289 = tpu.memref_squeeze %dma_wait3A_288 : memref<1x64x128xf32, #tpu.memory_space<vmem>> -> memref<64x128xf32, #tpu.memory_space<vmem>>
        %dma_wait3A_290 = arith.constant 0 : i32
        %dma_wait3A_291 = arith.constant 0 : i32
        %dma_wait3A_292 = tpu.memref_slice %arg5[%dma_wait3A_290, %dma_wait3A_291] : memref<64x1000000xf32, #tpu.memory_space<hbm>> -> memref<64x128xf32, #tpu.memory_space<hbm>>
        tpu.wait_dma2 semaphore(%arg16 : memref<!tpu.dma_semaphore, #tpu.memory_space<semaphore_mem>>) src(%dma_wait3A_292 : memref<64x128xf32, #tpu.memory_space<hbm>>) dst(%dma_wait3A_289 : memref<64x128xf32, #tpu.memory_space<vmem>>)
      } else {
      }
      %dma_wait3A_96 = arith.constant 4 : i32
      %dma_wait3A_97 = arith.constant 0 : i32
      %dma_wait3A_98 = arith.constant 0 : i32
      %dma_wait3A_99 = tpu.memref_slice %arg9[%dma_wait3A_96, %dma_wait3A_97, %dma_wait3A_98] : memref<6x64x128xf32, #tpu.memory_space<vmem>> -> memref<1x64x128xf32, #tpu.memory_space<vmem>>
      %dma_wait3A_100 = tpu.memref_squeeze %dma_wait3A_99 : memref<1x64x128xf32, #tpu.memory_space<vmem>> -> memref<64x128xf32, #tpu.memory_space<vmem>>
      %dma_wait3A_101 = arith.constant 0 : i32
      %dma_wait3A_102 = arith.constant 0 : i32
      %dma_wait3A_103 = tpu.memref_slice %arg5[%dma_wait3A_101, %dma_wait3A_102] : memref<64x1000000xf32, #tpu.memory_space<hbm>> -> memref<64x128xf32, #tpu.memory_space<hbm>>
      %dma_wait3A_104 = arith.constant 0 : i32
      %dma_wait3A_105 = arith.constant 0 : i32
      %dma_wait3A_106 = tpu.memref_slice %arg9[%dma_wait3A_96, %dma_wait3A_104, %dma_wait3A_105] : memref<6x64x128xf32, #tpu.memory_space<vmem>> -> memref<1x64x128xf32, #tpu.memory_space<vmem>>
      %dma_wait3A_107 = tpu.memref_squeeze %dma_wait3A_106 : memref<1x64x128xf32, #tpu.memory_space<vmem>> -> memref<64x128xf32, #tpu.memory_space<vmem>>
      %dma_wait3A_108 = arith.constant 0 : i32
      %dma_wait3A_109 = arith.constant 0 : i32
      %dma_wait3A_110 = tpu.memref_slice %arg5[%dma_wait3A_108, %dma_wait3A_109] : memref<64x1000000xf32, #tpu.memory_space<hbm>> -> memref<64x128xf32, #tpu.memory_space<hbm>>
      tpu.wait_dma2 semaphore(%arg16 : memref<!tpu.dma_semaphore, #tpu.memory_space<semaphore_mem>>) src(%dma_wait3A_110 : memref<64x128xf32, #tpu.memory_space<hbm>>) dst(%dma_wait3A_107 : memref<64x128xf32, #tpu.memory_space<vmem>>)
      %convert_element_type3A_111 = arith.extui %or3A : i1 to i32
      %cond3A_112 = arith.constant 0 : i32
      %cond3A_113 = arith.cmpi ne, %convert_element_type3A_111, %cond3A_112 : i32
      scf.if %cond3A_113 {
        %dma_wait3A_278 = arith.constant 5 : i32
        %dma_wait3A_279 = arith.constant 0 : i32
        %dma_wait3A_280 = arith.constant 0 : i32
        %dma_wait3A_281 = tpu.memref_slice %arg9[%dma_wait3A_278, %dma_wait3A_279, %dma_wait3A_280] : memref<6x64x128xf32, #tpu.memory_space<vmem>> -> memref<1x64x128xf32, #tpu.memory_space<vmem>>
        %dma_wait3A_282 = tpu.memref_squeeze %dma_wait3A_281 : memref<1x64x128xf32, #tpu.memory_space<vmem>> -> memref<64x128xf32, #tpu.memory_space<vmem>>
        %dma_wait3A_283 = arith.constant 0 : i32
        %dma_wait3A_284 = arith.constant 0 : i32
        %dma_wait3A_285 = tpu.memref_slice %arg5[%dma_wait3A_283, %dma_wait3A_284] : memref<64x1000000xf32, #tpu.memory_space<hbm>> -> memref<64x128xf32, #tpu.memory_space<hbm>>
        %dma_wait3A_286 = arith.constant 0 : i32
        %dma_wait3A_287 = arith.constant 0 : i32
        %dma_wait3A_288 = tpu.memref_slice %arg9[%dma_wait3A_278, %dma_wait3A_286, %dma_wait3A_287] : memref<6x64x128xf32, #tpu.memory_space<vmem>> -> memref<1x64x128xf32, #tpu.memory_space<vmem>>
        %dma_wait3A_289 = tpu.memref_squeeze %dma_wait3A_288 : memref<1x64x128xf32, #tpu.memory_space<vmem>> -> memref<64x128xf32, #tpu.memory_space<vmem>>
        %dma_wait3A_290 = arith.constant 0 : i32
        %dma_wait3A_291 = arith.constant 0 : i32
        %dma_wait3A_292 = tpu.memref_slice %arg5[%dma_wait3A_290, %dma_wait3A_291] : memref<64x1000000xf32, #tpu.memory_space<hbm>> -> memref<64x128xf32, #tpu.memory_space<hbm>>
        tpu.wait_dma2 semaphore(%arg16 : memref<!tpu.dma_semaphore, #tpu.memory_space<semaphore_mem>>) src(%dma_wait3A_292 : memref<64x128xf32, #tpu.memory_space<hbm>>) dst(%dma_wait3A_289 : memref<64x128xf32, #tpu.memory_space<vmem>>)
      } else {
      }
      %swap3A_114 = arith.constant 0 : index
      %swap3A_115 = tpu.vector_load %arg12[%swap3A_114] {strides = array<i32>} : memref<64xf32, #tpu.memory_space<vmem>>, vector<16xf32>,
      tpu.vector_store %arg12[%swap3A_114], %broadcast_in_dim3A_2 {strides = array<i32>} : memref<64xf32, #tpu.memory_space<vmem>>, vector<16xf32>,
      %swap3A_116 = arith.constant 16 : index
      %swap3A_117 = tpu.vector_load %arg12[%swap3A_116] {strides = array<i32>} : memref<64xf32, #tpu.memory_space<vmem>>, vector<16xf32>,
      tpu.vector_store %arg12[%swap3A_116], %broadcast_in_dim3A_2 {strides = array<i32>} : memref<64xf32, #tpu.memory_space<vmem>>, vector<16xf32>,
      %swap3A_118 = arith.constant 32 : index
      %swap3A_119 = tpu.vector_load %arg12[%swap3A_118] {strides = array<i32>} : memref<64xf32, #tpu.memory_space<vmem>>, vector<16xf32>,
      tpu.vector_store %arg12[%swap3A_118], %broadcast_in_dim3A_2 {strides = array<i32>} : memref<64xf32, #tpu.memory_space<vmem>>, vector<16xf32>,
      %swap3A_120 = arith.constant 48 : index
      %swap3A_121 = tpu.vector_load %arg12[%swap3A_120] {strides = array<i32>} : memref<64xf32, #tpu.memory_space<vmem>>, vector<16xf32>,
      tpu.vector_store %arg12[%swap3A_120], %broadcast_in_dim3A_2 {strides = array<i32>} : memref<64xf32, #tpu.memory_space<vmem>>, vector<16xf32>,
      %scan3A_122 = arith.constant 0 : i32
      %scan3A_123 = arith.constant 3 : i32
      %scan3A_124 = arith.addi %scan3A_122, %scan3A_123 : i32
      %scan3A_125 = arith.constant 1 : i32
      scf.for %scan3A_278 = %scan3A_122 to %scan3A_124 step %scan3A_125  : i32 {
        %mul3A_279 = arith.constant 1 : i32
        %mul3A_280 = arith.muli %scan3A_278, %mul3A_279 : i32
        %add3A_281 = arith.constant 0 : i32
        %add3A_282 = arith.addi %add3A_281, %mul3A_280 : i32
        %mul3A_283 = arith.constant 16 : i32
        %mul3A_284 = arith.muli %mul3A_283, %add3A_282 : i32
        %multiple_of3A_285 = tpu.assume_multiple %mul3A_284, 16 : i32
        %get3A_286 = arith.index_cast %multiple_of3A_285 : i32 to index
        %get3A_287 = tpu.vector_load %arg8[%get3A_286] {strides = array<i32>} : memref<96xi32, #tpu.memory_space<vmem>>, vector<16xi32>,
        %eq3A_288 = vector.broadcast %arg1 : i32 to vector<16xi32>
        %eq3A_289 = arith.cmpi eq, %iota3A, %eq3A_288 : vector<16xi32>
        %jit3A_290 = arith.constant 0 : i32
        %broadcast_in_dim3A_291 = vector.broadcast %jit3A_290 : i32 to vector<16xi32>
        %select_n3A_292 = arith.select %eq3A_289, %get3A_287, %broadcast_in_dim3A_291 : vector<16xi1>, vector<16xi32>
        %reduce_sum3A_293 = arith.constant true
        %reduce_sum3A_294 = vector.broadcast %reduce_sum3A_293 : i1 to vector<16xi1>
        %reduce_sum3A_295 = tpu.scan <sum>, %select_n3A_292 masked %reduce_sum3A_294 : vector<16xi32>, vector<16xi1> -> vector<16xi32>
        %reduce_sum3A_296 = vector.extract %reduce_sum3A_295[15] : i32 from vector<16xi32>
        %jit3A_297 = arith.constant 128 : i32
        %div3A_298 = arith.divsi %reduce_sum3A_296, %jit3A_297 : i32
        %sign3A_299 = arith.constant 0 : i32
        %sign3A_300 = arith.cmpi sgt, %reduce_sum3A_296, %sign3A_299 : i32
        %sign3A_301 = arith.extui %sign3A_300 : i1 to i32
        %sign3A_302 = arith.constant 0 : i32
        %sign3A_303 = arith.cmpi slt, %reduce_sum3A_296, %sign3A_302 : i32
        %sign3A_304 = arith.extui %sign3A_303 : i1 to i32
        %sign3A_305 = arith.subi %sign3A_301, %sign3A_304 : i32
        %sign3A_306 = arith.constant 0 : i32
        %sign3A_307 = arith.cmpi sgt, %jit3A_297, %sign3A_306 : i32
        %sign3A_308 = arith.extui %sign3A_307 : i1 to i32
        %sign3A_309 = arith.constant 0 : i32
        %sign3A_310 = arith.cmpi slt, %jit3A_297, %sign3A_309 : i32
        %sign3A_311 = arith.extui %sign3A_310 : i1 to i32
        %sign3A_312 = arith.subi %sign3A_308, %sign3A_311 : i32
        %ne3A_313 = arith.cmpi ne, %sign3A_305, %sign3A_312 : i32
        %rem3A_314 = arith.remsi %reduce_sum3A_296, %jit3A_297 : i32
        %ne3A_315 = arith.constant 0 : i32
        %ne3A_316 = arith.cmpi ne, %rem3A_314, %ne3A_315 : i32
        %and3A_317 = arith.andi %ne3A_313, %ne3A_316 : i1
        %sub3A_318 = arith.constant 1 : i32
        %sub3A_319 = arith.subi %div3A_298, %sub3A_318 : i32
        %select_n3A_320 = arith.select %and3A_317, %sub3A_319, %div3A_298 : i32
        %mul3A_321 = arith.constant 128 : i32
        %mul3A_322 = arith.muli %select_n3A_320, %mul3A_321 : i32
        %sub3A_323 = arith.subi %reduce_sum3A_296, %mul3A_322 : i32
        %broadcast_in_dim3A_324 = vector.broadcast %sub3A_323 : i32 to vector<16xi32>
        %add3A_325 = arith.constant 0 : i32
        %add3A_326 = vector.broadcast %add3A_325 : i32 to vector<16xi32>
        %add3A_327 = arith.addi %iota3A, %add3A_326 : vector<16xi32>
        %gather3A_328 = arith.constant 0 : i32
        %gather3A_329 = arith.constant 0 : i32
        %gather3A_330 = tpu.memref_slice %arg9[%add3A_282, %gather3A_328, %gather3A_329] : memref<6x64x128xf32, #tpu.memory_space<vmem>> -> memref<1x64x128xf32, #tpu.memory_space<vmem>>
        %gather3A_331 = tpu.memref_squeeze %gather3A_330 : memref<1x64x128xf32, #tpu.memory_space<vmem>> -> memref<64x128xf32, #tpu.memory_space<vmem>>
        %gather3A_332 = tpu.vector_load_idx %gather3A_331[%add3A_327, %broadcast_in_dim3A_324] : memref<64x128xf32, #tpu.memory_space<vmem>>[vector<16xi32>, vector<16xi32>], vector<16xf32>,
        %add3A_333 = arith.constant 16 : i32
        %add3A_334 = vector.broadcast %add3A_333 : i32 to vector<16xi32>
        %add3A_335 = arith.addi %iota3A, %add3A_334 : vector<16xi32>
        %gather3A_336 = arith.constant 0 : i32
        %gather3A_337 = arith.constant 0 : i32
        %gather3A_338 = tpu.memref_slice %arg9[%add3A_282, %gather3A_336, %gather3A_337] : memref<6x64x128xf32, #tpu.memory_space<vmem>> -> memref<1x64x128xf32, #tpu.memory_space<vmem>>
        %gather3A_339 = tpu.memref_squeeze %gather3A_338 : memref<1x64x128xf32, #tpu.memory_space<vmem>> -> memref<64x128xf32, #tpu.memory_space<vmem>>
        %gather3A_340 = tpu.vector_load_idx %gather3A_339[%add3A_335, %broadcast_in_dim3A_324] : memref<64x128xf32, #tpu.memory_space<vmem>>[vector<16xi32>, vector<16xi32>], vector<16xf32>,
        %add3A_341 = arith.constant 32 : i32
        %add3A_342 = vector.broadcast %add3A_341 : i32 to vector<16xi32>
        %add3A_343 = arith.addi %iota3A, %add3A_342 : vector<16xi32>
        %gather3A_344 = arith.constant 0 : i32
        %gather3A_345 = arith.constant 0 : i32
        %gather3A_346 = tpu.memref_slice %arg9[%add3A_282, %gather3A_344, %gather3A_345] : memref<6x64x128xf32, #tpu.memory_space<vmem>> -> memref<1x64x128xf32, #tpu.memory_space<vmem>>
        %gather3A_347 = tpu.memref_squeeze %gather3A_346 : memref<1x64x128xf32, #tpu.memory_space<vmem>> -> memref<64x128xf32, #tpu.memory_space<vmem>>
        %gather3A_348 = tpu.vector_load_idx %gather3A_347[%add3A_343, %broadcast_in_dim3A_324] : memref<64x128xf32, #tpu.memory_space<vmem>>[vector<16xi32>, vector<16xi32>], vector<16xf32>,
        %add3A_349 = arith.constant 48 : i32
        %add3A_350 = vector.broadcast %add3A_349 : i32 to vector<16xi32>
        %add3A_351 = arith.addi %iota3A, %add3A_350 : vector<16xi32>
        %gather3A_352 = arith.constant 0 : i32
        %gather3A_353 = arith.constant 0 : i32
        %gather3A_354 = tpu.memref_slice %arg9[%add3A_282, %gather3A_352, %gather3A_353] : memref<6x64x128xf32, #tpu.memory_space<vmem>> -> memref<1x64x128xf32, #tpu.memory_space<vmem>>
        %gather3A_355 = tpu.memref_squeeze %gather3A_354 : memref<1x64x128xf32, #tpu.memory_space<vmem>> -> memref<64x128xf32, #tpu.memory_space<vmem>>
        %gather3A_356 = tpu.vector_load_idx %gather3A_355[%add3A_351, %broadcast_in_dim3A_324] : memref<64x128xf32, #tpu.memory_space<vmem>>[vector<16xi32>, vector<16xi32>], vector<16xf32>,
        %get3A_357 = arith.constant 0 : index
        %get3A_358 = tpu.vector_load %arg12[%get3A_357] {strides = array<i32>} : memref<64xf32, #tpu.memory_space<vmem>>, vector<16xf32>,
        %add3A_359 = arith.addf %get3A_358, %gather3A_332 : vector<16xf32>
        %swap3A_360 = arith.constant 0 : index
        %swap3A_361 = tpu.vector_load %arg12[%swap3A_360] {strides = array<i32>} : memref<64xf32, #tpu.memory_space<vmem>>, vector<16xf32>,
        tpu.vector_store %arg12[%swap3A_360], %add3A_359 {strides = array<i32>} : memref<64xf32, #tpu.memory_space<vmem>>, vector<16xf32>,
        %get3A_362 = arith.constant 16 : index
        %get3A_363 = tpu.vector_load %arg12[%get3A_362] {strides = array<i32>} : memref<64xf32, #tpu.memory_space<vmem>>, vector<16xf32>,
        %add3A_364 = arith.addf %get3A_363, %gather3A_340 : vector<16xf32>
        %swap3A_365 = arith.constant 16 : index
        %swap3A_366 = tpu.vector_load %arg12[%swap3A_365] {strides = array<i32>} : memref<64xf32, #tpu.memory_space<vmem>>, vector<16xf32>,
        tpu.vector_store %arg12[%swap3A_365], %add3A_364 {strides = array<i32>} : memref<64xf32, #tpu.memory_space<vmem>>, vector<16xf32>,
        %get3A_367 = arith.constant 32 : index
        %get3A_368 = tpu.vector_load %arg12[%get3A_367] {strides = array<i32>} : memref<64xf32, #tpu.memory_space<vmem>>, vector<16xf32>,
        %add3A_369 = arith.addf %get3A_368, %gather3A_348 : vector<16xf32>
        %swap3A_370 = arith.constant 32 : index
        %swap3A_371 = tpu.vector_load %arg12[%swap3A_370] {strides = array<i32>} : memref<64xf32, #tpu.memory_space<vmem>>, vector<16xf32>,
        tpu.vector_store %arg12[%swap3A_370], %add3A_369 {strides = array<i32>} : memref<64xf32, #tpu.memory_space<vmem>>, vector<16xf32>,
        %get3A_372 = arith.constant 48 : index
        %get3A_373 = tpu.vector_load %arg12[%get3A_372] {strides = array<i32>} : memref<64xf32, #tpu.memory_space<vmem>>, vector<16xf32>,
        %add3A_374 = arith.addf %get3A_373, %gather3A_356 : vector<16xf32>
        %swap3A_375 = arith.constant 48 : index
        %swap3A_376 = tpu.vector_load %arg12[%swap3A_375] {strides = array<i32>} : memref<64xf32, #tpu.memory_space<vmem>>, vector<16xf32>,
        tpu.vector_store %arg12[%swap3A_375], %add3A_374 {strides = array<i32>} : memref<64xf32, #tpu.memory_space<vmem>>, vector<16xf32>,
      }
      %scan3A_126 = arith.constant 3 : i32
      %convert_element_type3A_127 = arith.extui %lt3A_21 : i1 to i32
      %cond3A_128 = arith.constant 0 : i32
      %cond3A_129 = arith.cmpi ne, %convert_element_type3A_127, %cond3A_128 : i32
      scf.if %cond3A_129 {
        %multiple_of3A_278 = arith.constant 48 : i32
        %multiple_of3A_279 = tpu.assume_multiple %multiple_of3A_278, 16 : i32
        %get3A_280 = arith.index_cast %multiple_of3A_279 : i32 to index
        %get3A_281 = tpu.vector_load %arg8[%get3A_280] {strides = array<i32>} : memref<96xi32, #tpu.memory_space<vmem>>, vector<16xi32>,
        %eq3A_282 = vector.broadcast %arg1 : i32 to vector<16xi32>
        %eq3A_283 = arith.cmpi eq, %iota3A, %eq3A_282 : vector<16xi32>
        %jit3A_284 = arith.constant 0 : i32
        %broadcast_in_dim3A_285 = vector.broadcast %jit3A_284 : i32 to vector<16xi32>
        %select_n3A_286 = arith.select %eq3A_283, %get3A_281, %broadcast_in_dim3A_285 : vector<16xi1>, vector<16xi32>
        %reduce_sum3A_287 = arith.constant true
        %reduce_sum3A_288 = vector.broadcast %reduce_sum3A_287 : i1 to vector<16xi1>
        %reduce_sum3A_289 = tpu.scan <sum>, %select_n3A_286 masked %reduce_sum3A_288 : vector<16xi32>, vector<16xi1> -> vector<16xi32>
        %reduce_sum3A_290 = vector.extract %reduce_sum3A_289[15] : i32 from vector<16xi32>
        %jit3A_291 = arith.constant 128 : i32
        %div3A_292 = arith.divsi %reduce_sum3A_290, %jit3A_291 : i32
        %sign3A_293 = arith.constant 0 : i32
        %sign3A_294 = arith.cmpi sgt, %reduce_sum3A_290, %sign3A_293 : i32
        %sign3A_295 = arith.extui %sign3A_294 : i1 to i32
        %sign3A_296 = arith.constant 0 : i32
        %sign3A_297 = arith.cmpi slt, %reduce_sum3A_290, %sign3A_296 : i32
        %sign3A_298 = arith.extui %sign3A_297 : i1 to i32
        %sign3A_299 = arith.subi %sign3A_295, %sign3A_298 : i32
        %sign3A_300 = arith.constant 0 : i32
        %sign3A_301 = arith.cmpi sgt, %jit3A_291, %sign3A_300 : i32
        %sign3A_302 = arith.extui %sign3A_301 : i1 to i32
        %sign3A_303 = arith.constant 0 : i32
        %sign3A_304 = arith.cmpi slt, %jit3A_291, %sign3A_303 : i32
        %sign3A_305 = arith.extui %sign3A_304 : i1 to i32
        %sign3A_306 = arith.subi %sign3A_302, %sign3A_305 : i32
        %ne3A_307 = arith.cmpi ne, %sign3A_299, %sign3A_306 : i32
        %rem3A_308 = arith.remsi %reduce_sum3A_290, %jit3A_291 : i32
        %ne3A_309 = arith.constant 0 : i32
        %ne3A_310 = arith.cmpi ne, %rem3A_308, %ne3A_309 : i32
        %and3A_311 = arith.andi %ne3A_307, %ne3A_310 : i1
        %sub3A_312 = arith.constant 1 : i32
        %sub3A_313 = arith.subi %div3A_292, %sub3A_312 : i32
        %select_n3A_314 = arith.select %and3A_311, %sub3A_313, %div3A_292 : i32
        %mul3A_315 = arith.constant 128 : i32
        %mul3A_316 = arith.muli %select_n3A_314, %mul3A_315 : i32
        %sub3A_317 = arith.subi %reduce_sum3A_290, %mul3A_316 : i32
        %broadcast_in_dim3A_318 = vector.broadcast %sub3A_317 : i32 to vector<16xi32>
        %add3A_319 = arith.constant 0 : i32
        %add3A_320 = vector.broadcast %add3A_319 : i32 to vector<16xi32>
        %add3A_321 = arith.addi %iota3A, %add3A_320 : vector<16xi32>
        %gather3A_322 = arith.constant 3 : i32
        %gather3A_323 = arith.constant 0 : i32
        %gather3A_324 = arith.constant 0 : i32
        %gather3A_325 = tpu.memref_slice %arg9[%gather3A_322, %gather3A_323, %gather3A_324] : memref<6x64x128xf32, #tpu.memory_space<vmem>> -> memref<1x64x128xf32, #tpu.memory_space<vmem>>
        %gather3A_326 = tpu.memref_squeeze %gather3A_325 : memref<1x64x128xf32, #tpu.memory_space<vmem>> -> memref<64x128xf32, #tpu.memory_space<vmem>>
        %gather3A_327 = tpu.vector_load_idx %gather3A_326[%add3A_321, %broadcast_in_dim3A_318] : memref<64x128xf32, #tpu.memory_space<vmem>>[vector<16xi32>, vector<16xi32>], vector<16xf32>,
        %add3A_328 = arith.constant 16 : i32
        %add3A_329 = vector.broadcast %add3A_328 : i32 to vector<16xi32>
        %add3A_330 = arith.addi %iota3A, %add3A_329 : vector<16xi32>
        %gather3A_331 = arith.constant 3 : i32
        %gather3A_332 = arith.constant 0 : i32
        %gather3A_333 = arith.constant 0 : i32
        %gather3A_334 = tpu.memref_slice %arg9[%gather3A_331, %gather3A_332, %gather3A_333] : memref<6x64x128xf32, #tpu.memory_space<vmem>> -> memref<1x64x128xf32, #tpu.memory_space<vmem>>
        %gather3A_335 = tpu.memref_squeeze %gather3A_334 : memref<1x64x128xf32, #tpu.memory_space<vmem>> -> memref<64x128xf32, #tpu.memory_space<vmem>>
        %gather3A_336 = tpu.vector_load_idx %gather3A_335[%add3A_330, %broadcast_in_dim3A_318] : memref<64x128xf32, #tpu.memory_space<vmem>>[vector<16xi32>, vector<16xi32>], vector<16xf32>,
        %add3A_337 = arith.constant 32 : i32
        %add3A_338 = vector.broadcast %add3A_337 : i32 to vector<16xi32>
        %add3A_339 = arith.addi %iota3A, %add3A_338 : vector<16xi32>
        %gather3A_340 = arith.constant 3 : i32
        %gather3A_341 = arith.constant 0 : i32
        %gather3A_342 = arith.constant 0 : i32
        %gather3A_343 = tpu.memref_slice %arg9[%gather3A_340, %gather3A_341, %gather3A_342] : memref<6x64x128xf32, #tpu.memory_space<vmem>> -> memref<1x64x128xf32, #tpu.memory_space<vmem>>
        %gather3A_344 = tpu.memref_squeeze %gather3A_343 : memref<1x64x128xf32, #tpu.memory_space<vmem>> -> memref<64x128xf32, #tpu.memory_space<vmem>>
        %gather3A_345 = tpu.vector_load_idx %gather3A_344[%add3A_339, %broadcast_in_dim3A_318] : memref<64x128xf32, #tpu.memory_space<vmem>>[vector<16xi32>, vector<16xi32>], vector<16xf32>,
        %add3A_346 = arith.constant 48 : i32
        %add3A_347 = vector.broadcast %add3A_346 : i32 to vector<16xi32>
        %add3A_348 = arith.addi %iota3A, %add3A_347 : vector<16xi32>
        %gather3A_349 = arith.constant 3 : i32
        %gather3A_350 = arith.constant 0 : i32
        %gather3A_351 = arith.constant 0 : i32
        %gather3A_352 = tpu.memref_slice %arg9[%gather3A_349, %gather3A_350, %gather3A_351] : memref<6x64x128xf32, #tpu.memory_space<vmem>> -> memref<1x64x128xf32, #tpu.memory_space<vmem>>
        %gather3A_353 = tpu.memref_squeeze %gather3A_352 : memref<1x64x128xf32, #tpu.memory_space<vmem>> -> memref<64x128xf32, #tpu.memory_space<vmem>>
        %gather3A_354 = tpu.vector_load_idx %gather3A_353[%add3A_348, %broadcast_in_dim3A_318] : memref<64x128xf32, #tpu.memory_space<vmem>>[vector<16xi32>, vector<16xi32>], vector<16xf32>,
        %get3A_355 = arith.constant 0 : index
        %get3A_356 = tpu.vector_load %arg12[%get3A_355] {strides = array<i32>} : memref<64xf32, #tpu.memory_space<vmem>>, vector<16xf32>,
        %add3A_357 = arith.addf %get3A_356, %gather3A_327 : vector<16xf32>
        %swap3A_358 = arith.constant 0 : index
        %swap3A_359 = tpu.vector_load %arg12[%swap3A_358] {strides = array<i32>} : memref<64xf32, #tpu.memory_space<vmem>>, vector<16xf32>,
        tpu.vector_store %arg12[%swap3A_358], %add3A_357 {strides = array<i32>} : memref<64xf32, #tpu.memory_space<vmem>>, vector<16xf32>,
        %get3A_360 = arith.constant 16 : index
        %get3A_361 = tpu.vector_load %arg12[%get3A_360] {strides = array<i32>} : memref<64xf32, #tpu.memory_space<vmem>>, vector<16xf32>,
        %add3A_362 = arith.addf %get3A_361, %gather3A_336 : vector<16xf32>
        %swap3A_363 = arith.constant 16 : index
        %swap3A_364 = tpu.vector_load %arg12[%swap3A_363] {strides = array<i32>} : memref<64xf32, #tpu.memory_space<vmem>>, vector<16xf32>,
        tpu.vector_store %arg12[%swap3A_363], %add3A_362 {strides = array<i32>} : memref<64xf32, #tpu.memory_space<vmem>>, vector<16xf32>,
        %get3A_365 = arith.constant 32 : index
        %get3A_366 = tpu.vector_load %arg12[%get3A_365] {strides = array<i32>} : memref<64xf32, #tpu.memory_space<vmem>>, vector<16xf32>,
        %add3A_367 = arith.addf %get3A_366, %gather3A_345 : vector<16xf32>
        %swap3A_368 = arith.constant 32 : index
        %swap3A_369 = tpu.vector_load %arg12[%swap3A_368] {strides = array<i32>} : memref<64xf32, #tpu.memory_space<vmem>>, vector<16xf32>,
        tpu.vector_store %arg12[%swap3A_368], %add3A_367 {strides = array<i32>} : memref<64xf32, #tpu.memory_space<vmem>>, vector<16xf32>,
        %get3A_370 = arith.constant 48 : index
        %get3A_371 = tpu.vector_load %arg12[%get3A_370] {strides = array<i32>} : memref<64xf32, #tpu.memory_space<vmem>>, vector<16xf32>,
        %add3A_372 = arith.addf %get3A_371, %gather3A_354 : vector<16xf32>
        %swap3A_373 = arith.constant 48 : index
        %swap3A_374 = tpu.vector_load %arg12[%swap3A_373] {strides = array<i32>} : memref<64xf32, #tpu.memory_space<vmem>>, vector<16xf32>,
        tpu.vector_store %arg12[%swap3A_373], %add3A_372 {strides = array<i32>} : memref<64xf32, #tpu.memory_space<vmem>>, vector<16xf32>,
      } else {
      }
      %add3A = arith.constant 96 : i32
      %add3A_130 = arith.addi %add3A, %arg1 : i32
      %dma_start3A_131 = arith.constant 0 : i32
      %dma_start3A_132 = tpu.memref_slice %arg15[%add3A_130, %dma_start3A_131] : memref<112x64xf32, #tpu.memory_space<vmem_shared>> -> memref<1x64xf32, #tpu.memory_space<vmem_shared>>
      %dma_start3A_133 = tpu.memref_squeeze %dma_start3A_132 : memref<1x64xf32, #tpu.memory_space<vmem_shared>> -> memref<64xf32, #tpu.memory_space<vmem_shared>>
      %dma_start3A_134 = arith.constant 0 : i32
      %dma_start3A_135 = tpu.memref_slice %arg15[%add3A_130, %dma_start3A_134] : memref<112x64xf32, #tpu.memory_space<vmem_shared>> -> memref<1x64xf32, #tpu.memory_space<vmem_shared>>
      %dma_start3A_136 = tpu.memref_squeeze %dma_start3A_135 : memref<1x64xf32, #tpu.memory_space<vmem_shared>> -> memref<64xf32, #tpu.memory_space<vmem_shared>>
      tpu.enqueue_dma source(%arg12 : memref<64xf32, #tpu.memory_space<vmem>>) target(%dma_start3A_136 : memref<64xf32, #tpu.memory_space<vmem_shared>>) target_semaphore(%arg17 : memref<!tpu.dma_semaphore, #tpu.memory_space<semaphore_mem>>)
      %multiple_of3A_137 = arith.constant 64 : i32
      %multiple_of3A_138 = tpu.assume_multiple %multiple_of3A_137, 16 : i32
      %get3A_139 = arith.index_cast %multiple_of3A_138 : i32 to index
      %get3A_140 = tpu.vector_load %arg8[%get3A_139] {strides = array<i32>} : memref<96xi32, #tpu.memory_space<vmem>>, vector<16xi32>,
      %eq3A_141 = vector.broadcast %arg1 : i32 to vector<16xi32>
      %eq3A_142 = arith.cmpi eq, %iota3A, %eq3A_141 : vector<16xi32>
      %jit3A_143 = arith.constant 0 : i32
      %broadcast_in_dim3A_144 = vector.broadcast %jit3A_143 : i32 to vector<16xi32>
      %select_n3A_145 = arith.select %eq3A_142, %get3A_140, %broadcast_in_dim3A_144 : vector<16xi1>, vector<16xi32>
      %reduce_sum3A_146 = arith.constant true
      %reduce_sum3A_147 = vector.broadcast %reduce_sum3A_146 : i1 to vector<16xi1>
      %reduce_sum3A_148 = tpu.scan <sum>, %select_n3A_145 masked %reduce_sum3A_147 : vector<16xi32>, vector<16xi1> -> vector<16xi32>
      %reduce_sum3A_149 = vector.extract %reduce_sum3A_148[15] : i32 from vector<16xi32>
      %jit3A_150 = arith.constant 128 : i32
      %div3A_151 = arith.divsi %reduce_sum3A_149, %jit3A_150 : i32
      %sign3A_152 = arith.constant 0 : i32
      %sign3A_153 = arith.cmpi sgt, %reduce_sum3A_149, %sign3A_152 : i32
      %sign3A_154 = arith.extui %sign3A_153 : i1 to i32
      %sign3A_155 = arith.constant 0 : i32
      %sign3A_156 = arith.cmpi slt, %reduce_sum3A_149, %sign3A_155 : i32
      %sign3A_157 = arith.extui %sign3A_156 : i1 to i32
      %sign3A_158 = arith.subi %sign3A_154, %sign3A_157 : i32
      %sign3A_159 = arith.constant 0 : i32
      %sign3A_160 = arith.cmpi sgt, %jit3A_150, %sign3A_159 : i32
      %sign3A_161 = arith.extui %sign3A_160 : i1 to i32
      %sign3A_162 = arith.constant 0 : i32
      %sign3A_163 = arith.cmpi slt, %jit3A_150, %sign3A_162 : i32
      %sign3A_164 = arith.extui %sign3A_163 : i1 to i32
      %sign3A_165 = arith.subi %sign3A_161, %sign3A_164 : i32
      %ne3A_166 = arith.cmpi ne, %sign3A_158, %sign3A_165 : i32
      %rem3A_167 = arith.remsi %reduce_sum3A_149, %jit3A_150 : i32
      %ne3A_168 = arith.constant 0 : i32
      %ne3A_169 = arith.cmpi ne, %rem3A_167, %ne3A_168 : i32
      %and3A_170 = arith.andi %ne3A_166, %ne3A_169 : i1
      %sub3A_171 = arith.constant 1 : i32
      %sub3A_172 = arith.subi %div3A_151, %sub3A_171 : i32
      %select_n3A_173 = arith.select %and3A_170, %sub3A_172, %div3A_151 : i32
      %mul3A_174 = arith.constant 128 : i32
      %mul3A_175 = arith.muli %select_n3A_173, %mul3A_174 : i32
      %sub3A_176 = arith.subi %reduce_sum3A_149, %mul3A_175 : i32
      %broadcast_in_dim3A_177 = vector.broadcast %sub3A_176 : i32 to vector<16xi32>
      %add3A_178 = arith.constant 0 : i32
      %add3A_179 = vector.broadcast %add3A_178 : i32 to vector<16xi32>
      %add3A_180 = arith.addi %iota3A, %add3A_179 : vector<16xi32>
      %gather3A = arith.constant 4 : i32
      %gather3A_181 = arith.constant 0 : i32
      %gather3A_182 = arith.constant 0 : i32
      %gather3A_183 = tpu.memref_slice %arg9[%gather3A, %gather3A_181, %gather3A_182] : memref<6x64x128xf32, #tpu.memory_space<vmem>> -> memref<1x64x128xf32, #tpu.memory_space<vmem>>
      %gather3A_184 = tpu.memref_squeeze %gather3A_183 : memref<1x64x128xf32, #tpu.memory_space<vmem>> -> memref<64x128xf32, #tpu.memory_space<vmem>>
      %gather3A_185 = tpu.vector_load_idx %gather3A_184[%add3A_180, %broadcast_in_dim3A_177] : memref<64x128xf32, #tpu.memory_space<vmem>>[vector<16xi32>, vector<16xi32>], vector<16xf32>,
      %add3A_186 = arith.constant 16 : i32
      %add3A_187 = vector.broadcast %add3A_186 : i32 to vector<16xi32>
      %add3A_188 = arith.addi %iota3A, %add3A_187 : vector<16xi32>
      %gather3A_189 = arith.constant 4 : i32
      %gather3A_190 = arith.constant 0 : i32
      %gather3A_191 = arith.constant 0 : i32
      %gather3A_192 = tpu.memref_slice %arg9[%gather3A_189, %gather3A_190, %gather3A_191] : memref<6x64x128xf32, #tpu.memory_space<vmem>> -> memref<1x64x128xf32, #tpu.memory_space<vmem>>
      %gather3A_193 = tpu.memref_squeeze %gather3A_192 : memref<1x64x128xf32, #tpu.memory_space<vmem>> -> memref<64x128xf32, #tpu.memory_space<vmem>>
      %gather3A_194 = tpu.vector_load_idx %gather3A_193[%add3A_188, %broadcast_in_dim3A_177] : memref<64x128xf32, #tpu.memory_space<vmem>>[vector<16xi32>, vector<16xi32>], vector<16xf32>,
      %add3A_195 = arith.constant 32 : i32
      %add3A_196 = vector.broadcast %add3A_195 : i32 to vector<16xi32>
      %add3A_197 = arith.addi %iota3A, %add3A_196 : vector<16xi32>
      %gather3A_198 = arith.constant 4 : i32
      %gather3A_199 = arith.constant 0 : i32
      %gather3A_200 = arith.constant 0 : i32
      %gather3A_201 = tpu.memref_slice %arg9[%gather3A_198, %gather3A_199, %gather3A_200] : memref<6x64x128xf32, #tpu.memory_space<vmem>> -> memref<1x64x128xf32, #tpu.memory_space<vmem>>
      %gather3A_202 = tpu.memref_squeeze %gather3A_201 : memref<1x64x128xf32, #tpu.memory_space<vmem>> -> memref<64x128xf32, #tpu.memory_space<vmem>>
      %gather3A_203 = tpu.vector_load_idx %gather3A_202[%add3A_197, %broadcast_in_dim3A_177] : memref<64x128xf32, #tpu.memory_space<vmem>>[vector<16xi32>, vector<16xi32>], vector<16xf32>,
      %add3A_204 = arith.constant 48 : i32
      %add3A_205 = vector.broadcast %add3A_204 : i32 to vector<16xi32>
      %add3A_206 = arith.addi %iota3A, %add3A_205 : vector<16xi32>
      %gather3A_207 = arith.constant 4 : i32
      %gather3A_208 = arith.constant 0 : i32
      %gather3A_209 = arith.constant 0 : i32
      %gather3A_210 = tpu.memref_slice %arg9[%gather3A_207, %gather3A_208, %gather3A_209] : memref<6x64x128xf32, #tpu.memory_space<vmem>> -> memref<1x64x128xf32, #tpu.memory_space<vmem>>
      %gather3A_211 = tpu.memref_squeeze %gather3A_210 : memref<1x64x128xf32, #tpu.memory_space<vmem>> -> memref<64x128xf32, #tpu.memory_space<vmem>>
      %gather3A_212 = tpu.vector_load_idx %gather3A_211[%add3A_206, %broadcast_in_dim3A_177] : memref<64x128xf32, #tpu.memory_space<vmem>>[vector<16xi32>, vector<16xi32>], vector<16xf32>,
      %swap3A_213 = arith.constant 4 : i32
      %swap3A_214 = arith.index_cast %swap3A_213 : i32 to index
      %swap3A_215 = arith.constant 0 : index
      %swap3A_216 = tpu.vector_load %arg10[%swap3A_214, %swap3A_215] {strides = array<i32>} : memref<6x64xf32, #tpu.memory_space<vmem>>, vector<16xf32>,
      tpu.vector_store %arg10[%swap3A_214, %swap3A_215], %gather3A_185 {strides = array<i32>} : memref<6x64xf32, #tpu.memory_space<vmem>>, vector<16xf32>,
      %swap3A_217 = arith.constant 4 : i32
      %swap3A_218 = arith.index_cast %swap3A_217 : i32 to index
      %swap3A_219 = arith.constant 16 : index
      %swap3A_220 = tpu.vector_load %arg10[%swap3A_218, %swap3A_219] {strides = array<i32>} : memref<6x64xf32, #tpu.memory_space<vmem>>, vector<16xf32>,
      tpu.vector_store %arg10[%swap3A_218, %swap3A_219], %gather3A_194 {strides = array<i32>} : memref<6x64xf32, #tpu.memory_space<vmem>>, vector<16xf32>,
      %swap3A_221 = arith.constant 4 : i32
      %swap3A_222 = arith.index_cast %swap3A_221 : i32 to index
      %swap3A_223 = arith.constant 32 : index
      %swap3A_224 = tpu.vector_load %arg10[%swap3A_222, %swap3A_223] {strides = array<i32>} : memref<6x64xf32, #tpu.memory_space<vmem>>, vector<16xf32>,
      tpu.vector_store %arg10[%swap3A_222, %swap3A_223], %gather3A_203 {strides = array<i32>} : memref<6x64xf32, #tpu.memory_space<vmem>>, vector<16xf32>,
      %swap3A_225 = arith.constant 4 : i32
      %swap3A_226 = arith.index_cast %swap3A_225 : i32 to index
      %swap3A_227 = arith.constant 48 : index
      %swap3A_228 = tpu.vector_load %arg10[%swap3A_226, %swap3A_227] {strides = array<i32>} : memref<6x64xf32, #tpu.memory_space<vmem>>, vector<16xf32>,
      tpu.vector_store %arg10[%swap3A_226, %swap3A_227], %gather3A_212 {strides = array<i32>} : memref<6x64xf32, #tpu.memory_space<vmem>>, vector<16xf32>,
      %add3A_229 = arith.constant 64 : i32
      %add3A_230 = arith.addi %arg1, %add3A_229 : i32
      %dma_start3A_231 = arith.constant 4 : i32
      %dma_start3A_232 = arith.constant 0 : i32
      %dma_start3A_233 = tpu.memref_slice %arg10[%dma_start3A_231, %dma_start3A_232] : memref<6x64xf32, #tpu.memory_space<vmem>> -> memref<1x64xf32, #tpu.memory_space<vmem>>
      %dma_start3A_234 = tpu.memref_squeeze %dma_start3A_233 : memref<1x64xf32, #tpu.memory_space<vmem>> -> memref<64xf32, #tpu.memory_space<vmem>>
      %dma_start3A_235 = arith.constant 0 : i32
      %dma_start3A_236 = tpu.memref_slice %arg15[%add3A_230, %dma_start3A_235] : memref<112x64xf32, #tpu.memory_space<vmem_shared>> -> memref<1x64xf32, #tpu.memory_space<vmem_shared>>
      %dma_start3A_237 = tpu.memref_squeeze %dma_start3A_236 : memref<1x64xf32, #tpu.memory_space<vmem_shared>> -> memref<64xf32, #tpu.memory_space<vmem_shared>>
      %dma_start3A_238 = arith.constant 0 : i32
      %dma_start3A_239 = tpu.memref_slice %arg15[%add3A_230, %dma_start3A_238] : memref<112x64xf32, #tpu.memory_space<vmem_shared>> -> memref<1x64xf32, #tpu.memory_space<vmem_shared>>
      %dma_start3A_240 = tpu.memref_squeeze %dma_start3A_239 : memref<1x64xf32, #tpu.memory_space<vmem_shared>> -> memref<64xf32, #tpu.memory_space<vmem_shared>>
      %dma_start3A_241 = arith.constant 0 : i32
      %dma_start3A_242 = tpu.memref_slice %arg10[%dma_start3A_231, %dma_start3A_241] : memref<6x64xf32, #tpu.memory_space<vmem>> -> memref<1x64xf32, #tpu.memory_space<vmem>>
      %dma_start3A_243 = tpu.memref_squeeze %dma_start3A_242 : memref<1x64xf32, #tpu.memory_space<vmem>> -> memref<64xf32, #tpu.memory_space<vmem>>
      tpu.enqueue_dma source(%dma_start3A_243 : memref<64xf32, #tpu.memory_space<vmem>>) target(%dma_start3A_240 : memref<64xf32, #tpu.memory_space<vmem_shared>>) target_semaphore(%arg17 : memref<!tpu.dma_semaphore, #tpu.memory_space<semaphore_mem>>)
      %convert_element_type3A_244 = arith.extui %or3A : i1 to i32
      %cond3A_245 = arith.constant 0 : i32
      %cond3A_246 = arith.cmpi ne, %convert_element_type3A_244, %cond3A_245 : i32
      scf.if %cond3A_246 {
        %multiple_of3A_278 = arith.constant 80 : i32
        %multiple_of3A_279 = tpu.assume_multiple %multiple_of3A_278, 16 : i32
        %get3A_280 = arith.index_cast %multiple_of3A_279 : i32 to index
        %get3A_281 = tpu.vector_load %arg8[%get3A_280] {strides = array<i32>} : memref<96xi32, #tpu.memory_space<vmem>>, vector<16xi32>,
        %eq3A_282 = vector.broadcast %arg1 : i32 to vector<16xi32>
        %eq3A_283 = arith.cmpi eq, %iota3A, %eq3A_282 : vector<16xi32>
        %jit3A_284 = arith.constant 0 : i32
        %broadcast_in_dim3A_285 = vector.broadcast %jit3A_284 : i32 to vector<16xi32>
        %select_n3A_286 = arith.select %eq3A_283, %get3A_281, %broadcast_in_dim3A_285 : vector<16xi1>, vector<16xi32>
        %reduce_sum3A_287 = arith.constant true
        %reduce_sum3A_288 = vector.broadcast %reduce_sum3A_287 : i1 to vector<16xi1>
        %reduce_sum3A_289 = tpu.scan <sum>, %select_n3A_286 masked %reduce_sum3A_288 : vector<16xi32>, vector<16xi1> -> vector<16xi32>
        %reduce_sum3A_290 = vector.extract %reduce_sum3A_289[15] : i32 from vector<16xi32>
        %jit3A_291 = arith.constant 128 : i32
        %div3A_292 = arith.divsi %reduce_sum3A_290, %jit3A_291 : i32
        %sign3A_293 = arith.constant 0 : i32
        %sign3A_294 = arith.cmpi sgt, %reduce_sum3A_290, %sign3A_293 : i32
        %sign3A_295 = arith.extui %sign3A_294 : i1 to i32
        %sign3A_296 = arith.constant 0 : i32
        %sign3A_297 = arith.cmpi slt, %reduce_sum3A_290, %sign3A_296 : i32
        %sign3A_298 = arith.extui %sign3A_297 : i1 to i32
        %sign3A_299 = arith.subi %sign3A_295, %sign3A_298 : i32
        %sign3A_300 = arith.constant 0 : i32
        %sign3A_301 = arith.cmpi sgt, %jit3A_291, %sign3A_300 : i32
        %sign3A_302 = arith.extui %sign3A_301 : i1 to i32
        %sign3A_303 = arith.constant 0 : i32
        %sign3A_304 = arith.cmpi slt, %jit3A_291, %sign3A_303 : i32
        %sign3A_305 = arith.extui %sign3A_304 : i1 to i32
        %sign3A_306 = arith.subi %sign3A_302, %sign3A_305 : i32
        %ne3A_307 = arith.cmpi ne, %sign3A_299, %sign3A_306 : i32
        %rem3A_308 = arith.remsi %reduce_sum3A_290, %jit3A_291 : i32
        %ne3A_309 = arith.constant 0 : i32
        %ne3A_310 = arith.cmpi ne, %rem3A_308, %ne3A_309 : i32
        %and3A_311 = arith.andi %ne3A_307, %ne3A_310 : i1
        %sub3A_312 = arith.constant 1 : i32
        %sub3A_313 = arith.subi %div3A_292, %sub3A_312 : i32
        %select_n3A_314 = arith.select %and3A_311, %sub3A_313, %div3A_292 : i32
        %mul3A_315 = arith.constant 128 : i32
        %mul3A_316 = arith.muli %select_n3A_314, %mul3A_315 : i32
        %sub3A_317 = arith.subi %reduce_sum3A_290, %mul3A_316 : i32
        %broadcast_in_dim3A_318 = vector.broadcast %sub3A_317 : i32 to vector<16xi32>
        %add3A_319 = arith.constant 0 : i32
        %add3A_320 = vector.broadcast %add3A_319 : i32 to vector<16xi32>
        %add3A_321 = arith.addi %iota3A, %add3A_320 : vector<16xi32>
        %gather3A_322 = arith.constant 5 : i32
        %gather3A_323 = arith.constant 0 : i32
        %gather3A_324 = arith.constant 0 : i32
        %gather3A_325 = tpu.memref_slice %arg9[%gather3A_322, %gather3A_323, %gather3A_324] : memref<6x64x128xf32, #tpu.memory_space<vmem>> -> memref<1x64x128xf32, #tpu.memory_space<vmem>>
        %gather3A_326 = tpu.memref_squeeze %gather3A_325 : memref<1x64x128xf32, #tpu.memory_space<vmem>> -> memref<64x128xf32, #tpu.memory_space<vmem>>
        %gather3A_327 = tpu.vector_load_idx %gather3A_326[%add3A_321, %broadcast_in_dim3A_318] : memref<64x128xf32, #tpu.memory_space<vmem>>[vector<16xi32>, vector<16xi32>], vector<16xf32>,
        %add3A_328 = arith.constant 16 : i32
        %add3A_329 = vector.broadcast %add3A_328 : i32 to vector<16xi32>
        %add3A_330 = arith.addi %iota3A, %add3A_329 : vector<16xi32>
        %gather3A_331 = arith.constant 5 : i32
        %gather3A_332 = arith.constant 0 : i32
        %gather3A_333 = arith.constant 0 : i32
        %gather3A_334 = tpu.memref_slice %arg9[%gather3A_331, %gather3A_332, %gather3A_333] : memref<6x64x128xf32, #tpu.memory_space<vmem>> -> memref<1x64x128xf32, #tpu.memory_space<vmem>>
        %gather3A_335 = tpu.memref_squeeze %gather3A_334 : memref<1x64x128xf32, #tpu.memory_space<vmem>> -> memref<64x128xf32, #tpu.memory_space<vmem>>
        %gather3A_336 = tpu.vector_load_idx %gather3A_335[%add3A_330, %broadcast_in_dim3A_318] : memref<64x128xf32, #tpu.memory_space<vmem>>[vector<16xi32>, vector<16xi32>], vector<16xf32>,
        %add3A_337 = arith.constant 32 : i32
        %add3A_338 = vector.broadcast %add3A_337 : i32 to vector<16xi32>
        %add3A_339 = arith.addi %iota3A, %add3A_338 : vector<16xi32>
        %gather3A_340 = arith.constant 5 : i32
        %gather3A_341 = arith.constant 0 : i32
        %gather3A_342 = arith.constant 0 : i32
        %gather3A_343 = tpu.memref_slice %arg9[%gather3A_340, %gather3A_341, %gather3A_342] : memref<6x64x128xf32, #tpu.memory_space<vmem>> -> memref<1x64x128xf32, #tpu.memory_space<vmem>>
        %gather3A_344 = tpu.memref_squeeze %gather3A_343 : memref<1x64x128xf32, #tpu.memory_space<vmem>> -> memref<64x128xf32, #tpu.memory_space<vmem>>
        %gather3A_345 = tpu.vector_load_idx %gather3A_344[%add3A_339, %broadcast_in_dim3A_318] : memref<64x128xf32, #tpu.memory_space<vmem>>[vector<16xi32>, vector<16xi32>], vector<16xf32>,
        %add3A_346 = arith.constant 48 : i32
        %add3A_347 = vector.broadcast %add3A_346 : i32 to vector<16xi32>
        %add3A_348 = arith.addi %iota3A, %add3A_347 : vector<16xi32>
        %gather3A_349 = arith.constant 5 : i32
        %gather3A_350 = arith.constant 0 : i32
        %gather3A_351 = arith.constant 0 : i32
        %gather3A_352 = tpu.memref_slice %arg9[%gather3A_349, %gather3A_350, %gather3A_351] : memref<6x64x128xf32, #tpu.memory_space<vmem>> -> memref<1x64x128xf32, #tpu.memory_space<vmem>>
        %gather3A_353 = tpu.memref_squeeze %gather3A_352 : memref<1x64x128xf32, #tpu.memory_space<vmem>> -> memref<64x128xf32, #tpu.memory_space<vmem>>
        %gather3A_354 = tpu.vector_load_idx %gather3A_353[%add3A_348, %broadcast_in_dim3A_318] : memref<64x128xf32, #tpu.memory_space<vmem>>[vector<16xi32>, vector<16xi32>], vector<16xf32>,
        %swap3A_355 = arith.constant 5 : i32
        %swap3A_356 = arith.index_cast %swap3A_355 : i32 to index
        %swap3A_357 = arith.constant 0 : index
        %swap3A_358 = tpu.vector_load %arg10[%swap3A_356, %swap3A_357] {strides = array<i32>} : memref<6x64xf32, #tpu.memory_space<vmem>>, vector<16xf32>,
        tpu.vector_store %arg10[%swap3A_356, %swap3A_357], %gather3A_327 {strides = array<i32>} : memref<6x64xf32, #tpu.memory_space<vmem>>, vector<16xf32>,
        %swap3A_359 = arith.constant 5 : i32
        %swap3A_360 = arith.index_cast %swap3A_359 : i32 to index
        %swap3A_361 = arith.constant 16 : index
        %swap3A_362 = tpu.vector_load %arg10[%swap3A_360, %swap3A_361] {strides = array<i32>} : memref<6x64xf32, #tpu.memory_space<vmem>>, vector<16xf32>,
        tpu.vector_store %arg10[%swap3A_360, %swap3A_361], %gather3A_336 {strides = array<i32>} : memref<6x64xf32, #tpu.memory_space<vmem>>, vector<16xf32>,
        %swap3A_363 = arith.constant 5 : i32
        %swap3A_364 = arith.index_cast %swap3A_363 : i32 to index
        %swap3A_365 = arith.constant 32 : index
        %swap3A_366 = tpu.vector_load %arg10[%swap3A_364, %swap3A_365] {strides = array<i32>} : memref<6x64xf32, #tpu.memory_space<vmem>>, vector<16xf32>,
        tpu.vector_store %arg10[%swap3A_364, %swap3A_365], %gather3A_345 {strides = array<i32>} : memref<6x64xf32, #tpu.memory_space<vmem>>, vector<16xf32>,
        %swap3A_367 = arith.constant 5 : i32
        %swap3A_368 = arith.index_cast %swap3A_367 : i32 to index
        %swap3A_369 = arith.constant 48 : index
        %swap3A_370 = tpu.vector_load %arg10[%swap3A_368, %swap3A_369] {strides = array<i32>} : memref<6x64xf32, #tpu.memory_space<vmem>>, vector<16xf32>,
        tpu.vector_store %arg10[%swap3A_368, %swap3A_369], %gather3A_354 {strides = array<i32>} : memref<6x64xf32, #tpu.memory_space<vmem>>, vector<16xf32>,
        %add3A_371 = arith.constant 80 : i32
        %add3A_372 = arith.addi %arg1, %add3A_371 : i32
        %dma_start3A_373 = arith.constant 5 : i32
        %dma_start3A_374 = arith.constant 0 : i32
        %dma_start3A_375 = tpu.memref_slice %arg10[%dma_start3A_373, %dma_start3A_374] : memref<6x64xf32, #tpu.memory_space<vmem>> -> memref<1x64xf32, #tpu.memory_space<vmem>>
        %dma_start3A_376 = tpu.memref_squeeze %dma_start3A_375 : memref<1x64xf32, #tpu.memory_space<vmem>> -> memref<64xf32, #tpu.memory_space<vmem>>
        %dma_start3A_377 = arith.constant 0 : i32
        %dma_start3A_378 = tpu.memref_slice %arg15[%add3A_372, %dma_start3A_377] : memref<112x64xf32, #tpu.memory_space<vmem_shared>> -> memref<1x64xf32, #tpu.memory_space<vmem_shared>>
        %dma_start3A_379 = tpu.memref_squeeze %dma_start3A_378 : memref<1x64xf32, #tpu.memory_space<vmem_shared>> -> memref<64xf32, #tpu.memory_space<vmem_shared>>
        %dma_start3A_380 = arith.constant 0 : i32
        %dma_start3A_381 = tpu.memref_slice %arg15[%add3A_372, %dma_start3A_380] : memref<112x64xf32, #tpu.memory_space<vmem_shared>> -> memref<1x64xf32, #tpu.memory_space<vmem_shared>>
        %dma_start3A_382 = tpu.memref_squeeze %dma_start3A_381 : memref<1x64xf32, #tpu.memory_space<vmem_shared>> -> memref<64xf32, #tpu.memory_space<vmem_shared>>
        %dma_start3A_383 = arith.constant 0 : i32
        %dma_start3A_384 = tpu.memref_slice %arg10[%dma_start3A_373, %dma_start3A_383] : memref<6x64xf32, #tpu.memory_space<vmem>> -> memref<1x64xf32, #tpu.memory_space<vmem>>
        %dma_start3A_385 = tpu.memref_squeeze %dma_start3A_384 : memref<1x64xf32, #tpu.memory_space<vmem>> -> memref<64xf32, #tpu.memory_space<vmem>>
        tpu.enqueue_dma source(%dma_start3A_385 : memref<64xf32, #tpu.memory_space<vmem>>) target(%dma_start3A_382 : memref<64xf32, #tpu.memory_space<vmem_shared>>) target_semaphore(%arg17 : memref<!tpu.dma_semaphore, #tpu.memory_space<semaphore_mem>>)
      } else {
      }
      %add3A_247 = arith.constant 96 : i32
      %add3A_248 = arith.addi %add3A_247, %arg1 : i32
      %dma_wait3A_249 = arith.constant 0 : i32
      %dma_wait3A_250 = tpu.memref_slice %arg15[%add3A_248, %dma_wait3A_249] : memref<112x64xf32, #tpu.memory_space<vmem_shared>> -> memref<1x64xf32, #tpu.memory_space<vmem_shared>>
      %dma_wait3A_251 = tpu.memref_squeeze %dma_wait3A_250 : memref<1x64xf32, #tpu.memory_space<vmem_shared>> -> memref<64xf32, #tpu.memory_space<vmem_shared>>
      %dma_wait3A_252 = arith.constant 0 : i32
      %dma_wait3A_253 = tpu.memref_slice %arg15[%add3A_248, %dma_wait3A_252] : memref<112x64xf32, #tpu.memory_space<vmem_shared>> -> memref<1x64xf32, #tpu.memory_space<vmem_shared>>
      %dma_wait3A_254 = tpu.memref_squeeze %dma_wait3A_253 : memref<1x64xf32, #tpu.memory_space<vmem_shared>> -> memref<64xf32, #tpu.memory_space<vmem_shared>>
      tpu.wait_dma2 semaphore(%arg17 : memref<!tpu.dma_semaphore, #tpu.memory_space<semaphore_mem>>) src(%arg12 : memref<64xf32, #tpu.memory_space<vmem>>) dst(%dma_wait3A_254 : memref<64xf32, #tpu.memory_space<vmem_shared>>)
      %add3A_255 = arith.constant 64 : i32
      %add3A_256 = arith.addi %arg1, %add3A_255 : i32
      %dma_wait3A_257 = arith.constant 4 : i32
      %dma_wait3A_258 = arith.constant 0 : i32
      %dma_wait3A_259 = tpu.memref_slice %arg10[%dma_wait3A_257, %dma_wait3A_258] : memref<6x64xf32, #tpu.memory_space<vmem>> -> memref<1x64xf32, #tpu.memory_space<vmem>>
      %dma_wait3A_260 = tpu.memref_squeeze %dma_wait3A_259 : memref<1x64xf32, #tpu.memory_space<vmem>> -> memref<64xf32, #tpu.memory_space<vmem>>
      %dma_wait3A_261 = arith.constant 0 : i32
      %dma_wait3A_262 = tpu.memref_slice %arg15[%add3A_256, %dma_wait3A_261] : memref<112x64xf32, #tpu.memory_space<vmem_shared>> -> memref<1x64xf32, #tpu.memory_space<vmem_shared>>
      %dma_wait3A_263 = tpu.memref_squeeze %dma_wait3A_262 : memref<1x64xf32, #tpu.memory_space<vmem_shared>> -> memref<64xf32, #tpu.memory_space<vmem_shared>>
      %dma_wait3A_264 = arith.constant 0 : i32
      %dma_wait3A_265 = tpu.memref_slice %arg15[%add3A_256, %dma_wait3A_264] : memref<112x64xf32, #tpu.memory_space<vmem_shared>> -> memref<1x64xf32, #tpu.memory_space<vmem_shared>>
      %dma_wait3A_266 = tpu.memref_squeeze %dma_wait3A_265 : memref<1x64xf32, #tpu.memory_space<vmem_shared>> -> memref<64xf32, #tpu.memory_space<vmem_shared>>
      %dma_wait3A_267 = arith.constant 0 : i32
      %dma_wait3A_268 = tpu.memref_slice %arg10[%dma_wait3A_257, %dma_wait3A_267] : memref<6x64xf32, #tpu.memory_space<vmem>> -> memref<1x64xf32, #tpu.memory_space<vmem>>
      %dma_wait3A_269 = tpu.memref_squeeze %dma_wait3A_268 : memref<1x64xf32, #tpu.memory_space<vmem>> -> memref<64xf32, #tpu.memory_space<vmem>>
      tpu.wait_dma2 semaphore(%arg17 : memref<!tpu.dma_semaphore, #tpu.memory_space<semaphore_mem>>) src(%dma_wait3A_269 : memref<64xf32, #tpu.memory_space<vmem>>) dst(%dma_wait3A_266 : memref<64xf32, #tpu.memory_space<vmem_shared>>)
      %convert_element_type3A_270 = arith.extui %or3A : i1 to i32
      %cond3A_271 = arith.constant 0 : i32
      %cond3A_272 = arith.cmpi ne, %convert_element_type3A_270, %cond3A_271 : i32
      scf.if %cond3A_272 {
        %add3A_278 = arith.constant 80 : i32
        %add3A_279 = arith.addi %arg1, %add3A_278 : i32
        %dma_wait3A_280 = arith.constant 5 : i32
        %dma_wait3A_281 = arith.constant 0 : i32
        %dma_wait3A_282 = tpu.memref_slice %arg10[%dma_wait3A_280, %dma_wait3A_281] : memref<6x64xf32, #tpu.memory_space<vmem>> -> memref<1x64xf32, #tpu.memory_space<vmem>>
        %dma_wait3A_283 = tpu.memref_squeeze %dma_wait3A_282 : memref<1x64xf32, #tpu.memory_space<vmem>> -> memref<64xf32, #tpu.memory_space<vmem>>
        %dma_wait3A_284 = arith.constant 0 : i32
        %dma_wait3A_285 = tpu.memref_slice %arg15[%add3A_279, %dma_wait3A_284] : memref<112x64xf32, #tpu.memory_space<vmem_shared>> -> memref<1x64xf32, #tpu.memory_space<vmem_shared>>
        %dma_wait3A_286 = tpu.memref_squeeze %dma_wait3A_285 : memref<1x64xf32, #tpu.memory_space<vmem_shared>> -> memref<64xf32, #tpu.memory_space<vmem_shared>>
        %dma_wait3A_287 = arith.constant 0 : i32
        %dma_wait3A_288 = tpu.memref_slice %arg15[%add3A_279, %dma_wait3A_287] : memref<112x64xf32, #tpu.memory_space<vmem_shared>> -> memref<1x64xf32, #tpu.memory_space<vmem_shared>>
        %dma_wait3A_289 = tpu.memref_squeeze %dma_wait3A_288 : memref<1x64xf32, #tpu.memory_space<vmem_shared>> -> memref<64xf32, #tpu.memory_space<vmem_shared>>
        %dma_wait3A_290 = arith.constant 0 : i32
        %dma_wait3A_291 = tpu.memref_slice %arg10[%dma_wait3A_280, %dma_wait3A_290] : memref<6x64xf32, #tpu.memory_space<vmem>> -> memref<1x64xf32, #tpu.memory_space<vmem>>
        %dma_wait3A_292 = tpu.memref_squeeze %dma_wait3A_291 : memref<1x64xf32, #tpu.memory_space<vmem>> -> memref<64xf32, #tpu.memory_space<vmem>>
        tpu.wait_dma2 semaphore(%arg17 : memref<!tpu.dma_semaphore, #tpu.memory_space<semaphore_mem>>) src(%dma_wait3A_292 : memref<64xf32, #tpu.memory_space<vmem>>) dst(%dma_wait3A_289 : memref<64xf32, #tpu.memory_space<vmem_shared>>)
      } else {
      }
      %barrier3A = arith.constant 0 : index
      tpu.barrier barrier_id(%barrier3A)
      %eq3A_273 = arith.constant 0 : i32
      %eq3A_274 = arith.cmpi eq, %arg1, %eq3A_273 : i32
      %convert_element_type3A_275 = arith.extui %eq3A_274 : i1 to i32
      %cond3A_276 = arith.constant 0 : i32
      %cond3A_277 = arith.cmpi ne, %convert_element_type3A_275, %cond3A_276 : i32
      scf.if %cond3A_277 {
        "tpu.region"() ({
          %run_scoped3A = tpu.sem_alloc : memref<!tpu.dma_semaphore, #tpu.memory_space<semaphore_mem>>
          %dma_start3A_773 = arith.constant 64 : i32
          %dma_start3A_774 = arith.constant 0 : i32
          %dma_start3A_775 = tpu.memref_slice %arg15[%dma_start3A_773, %dma_start3A_774] : memref<112x64xf32, #tpu.memory_space<vmem_shared>> -> memref<48x64xf32, #tpu.memory_space<vmem_shared>>
          %dma_start3A_776 = arith.constant 64 : i32
          %dma_start3A_777 = arith.constant 0 : i32
          %dma_start3A_778 = tpu.memref_slice %arg15[%dma_start3A_776, %dma_start3A_777] : memref<112x64xf32, #tpu.memory_space<vmem_shared>> -> memref<48x64xf32, #tpu.memory_space<vmem_shared>>
          tpu.enqueue_dma source(%dma_start3A_778 : memref<48x64xf32, #tpu.memory_space<vmem_shared>>) target(%arg11 : memref<48x64xf32, #tpu.memory_space<vmem>>) target_semaphore(%run_scoped3A : memref<!tpu.dma_semaphore, #tpu.memory_space<semaphore_mem>>)
          %dma_wait3A_779 = arith.constant 64 : i32
          %dma_wait3A_780 = arith.constant 0 : i32
          %dma_wait3A_781 = tpu.memref_slice %arg15[%dma_wait3A_779, %dma_wait3A_780] : memref<112x64xf32, #tpu.memory_space<vmem_shared>> -> memref<48x64xf32, #tpu.memory_space<vmem_shared>>
          %dma_wait3A_782 = arith.constant 64 : i32
          %dma_wait3A_783 = arith.constant 0 : i32
          %dma_wait3A_784 = tpu.memref_slice %arg15[%dma_wait3A_782, %dma_wait3A_783] : memref<112x64xf32, #tpu.memory_space<vmem_shared>> -> memref<48x64xf32, #tpu.memory_space<vmem_shared>>
          tpu.wait_dma2 semaphore(%run_scoped3A : memref<!tpu.dma_semaphore, #tpu.memory_space<semaphore_mem>>) src(%dma_wait3A_784 : memref<48x64xf32, #tpu.memory_space<vmem_shared>>) dst(%arg11 : memref<48x64xf32, #tpu.memory_space<vmem>>)
          tpu.yield
        }) : () -> ()
        %swap3A_278 = arith.constant 0 : index
        %swap3A_279 = tpu.vector_load %arg13[%swap3A_278] {strides = array<i32>} : memref<32xf32, #tpu.memory_space<vmem>>, vector<16xf32>,
        tpu.vector_store %arg13[%swap3A_278], %broadcast_in_dim3A_2 {strides = array<i32>} : memref<32xf32, #tpu.memory_space<vmem>>, vector<16xf32>,
        %swap3A_280 = arith.constant 16 : index
        %swap3A_281 = tpu.vector_load %arg13[%swap3A_280] {strides = array<i32>} : memref<32xf32, #tpu.memory_space<vmem>>, vector<16xf32>,
        tpu.vector_store %arg13[%swap3A_280], %broadcast_in_dim3A_2 {strides = array<i32>} : memref<32xf32, #tpu.memory_space<vmem>>, vector<16xf32>,
        %get3A_282 = arith.constant 32 : i32
        %get3A_283 = arith.index_cast %get3A_282 : i32 to index
        %get3A_284 = arith.constant 0 : index
        %get3A_285 = tpu.vector_load %arg11[%get3A_283, %get3A_284] {strides = array<i32>} : memref<48x64xf32, #tpu.memory_space<vmem>>, vector<16xf32>,
        %get3A_286 = arith.constant 32 : i32
        %get3A_287 = arith.index_cast %get3A_286 : i32 to index
        %get3A_288 = arith.constant 16 : index
        %get3A_289 = tpu.vector_load %arg11[%get3A_287, %get3A_288] {strides = array<i32>} : memref<48x64xf32, #tpu.memory_space<vmem>>, vector<16xf32>,
        %get3A_290 = arith.constant 32 : i32
        %get3A_291 = arith.index_cast %get3A_290 : i32 to index
        %get3A_292 = arith.constant 32 : index
        %get3A_293 = tpu.vector_load %arg11[%get3A_291, %get3A_292] {strides = array<i32>} : memref<48x64xf32, #tpu.memory_space<vmem>>, vector<16xf32>,
        %get3A_294 = arith.constant 32 : i32
        %get3A_295 = arith.index_cast %get3A_294 : i32 to index
        %get3A_296 = arith.constant 48 : index
        %get3A_297 = tpu.vector_load %arg11[%get3A_295, %get3A_296] {strides = array<i32>} : memref<48x64xf32, #tpu.memory_space<vmem>>, vector<16xf32>,
        %get3A_298 = arith.constant 33 : i32
        %get3A_299 = arith.index_cast %get3A_298 : i32 to index
        %get3A_300 = arith.constant 0 : index
        %get3A_301 = tpu.vector_load %arg11[%get3A_299, %get3A_300] {strides = array<i32>} : memref<48x64xf32, #tpu.memory_space<vmem>>, vector<16xf32>,
        %add3A_302 = arith.addf %get3A_285, %get3A_301 : vector<16xf32>
        %get3A_303 = arith.constant 33 : i32
        %get3A_304 = arith.index_cast %get3A_303 : i32 to index
        %get3A_305 = arith.constant 16 : index
        %get3A_306 = tpu.vector_load %arg11[%get3A_304, %get3A_305] {strides = array<i32>} : memref<48x64xf32, #tpu.memory_space<vmem>>, vector<16xf32>,
        %add3A_307 = arith.addf %get3A_289, %get3A_306 : vector<16xf32>
        %get3A_308 = arith.constant 33 : i32
        %get3A_309 = arith.index_cast %get3A_308 : i32 to index
        %get3A_310 = arith.constant 32 : index
        %get3A_311 = tpu.vector_load %arg11[%get3A_309, %get3A_310] {strides = array<i32>} : memref<48x64xf32, #tpu.memory_space<vmem>>, vector<16xf32>,
        %add3A_312 = arith.addf %get3A_293, %get3A_311 : vector<16xf32>
        %get3A_313 = arith.constant 33 : i32
        %get3A_314 = arith.index_cast %get3A_313 : i32 to index
        %get3A_315 = arith.constant 48 : index
        %get3A_316 = tpu.vector_load %arg11[%get3A_314, %get3A_315] {strides = array<i32>} : memref<48x64xf32, #tpu.memory_space<vmem>>, vector<16xf32>,
        %add3A_317 = arith.addf %get3A_297, %get3A_316 : vector<16xf32>
        %get3A_318 = arith.constant 34 : i32
        %get3A_319 = arith.index_cast %get3A_318 : i32 to index
        %get3A_320 = arith.constant 0 : index
        %get3A_321 = tpu.vector_load %arg11[%get3A_319, %get3A_320] {strides = array<i32>} : memref<48x64xf32, #tpu.memory_space<vmem>>, vector<16xf32>,
        %add3A_322 = arith.addf %add3A_302, %get3A_321 : vector<16xf32>
        %get3A_323 = arith.constant 34 : i32
        %get3A_324 = arith.index_cast %get3A_323 : i32 to index
        %get3A_325 = arith.constant 16 : index
        %get3A_326 = tpu.vector_load %arg11[%get3A_324, %get3A_325] {strides = array<i32>} : memref<48x64xf32, #tpu.memory_space<vmem>>, vector<16xf32>,
        %add3A_327 = arith.addf %add3A_307, %get3A_326 : vector<16xf32>
        %get3A_328 = arith.constant 34 : i32
        %get3A_329 = arith.index_cast %get3A_328 : i32 to index
        %get3A_330 = arith.constant 32 : index
        %get3A_331 = tpu.vector_load %arg11[%get3A_329, %get3A_330] {strides = array<i32>} : memref<48x64xf32, #tpu.memory_space<vmem>>, vector<16xf32>,
        %add3A_332 = arith.addf %add3A_312, %get3A_331 : vector<16xf32>
        %get3A_333 = arith.constant 34 : i32
        %get3A_334 = arith.index_cast %get3A_333 : i32 to index
        %get3A_335 = arith.constant 48 : index
        %get3A_336 = tpu.vector_load %arg11[%get3A_334, %get3A_335] {strides = array<i32>} : memref<48x64xf32, #tpu.memory_space<vmem>>, vector<16xf32>,
        %add3A_337 = arith.addf %add3A_317, %get3A_336 : vector<16xf32>
        %get3A_338 = arith.constant 35 : i32
        %get3A_339 = arith.index_cast %get3A_338 : i32 to index
        %get3A_340 = arith.constant 0 : index
        %get3A_341 = tpu.vector_load %arg11[%get3A_339, %get3A_340] {strides = array<i32>} : memref<48x64xf32, #tpu.memory_space<vmem>>, vector<16xf32>,
        %add3A_342 = arith.addf %add3A_322, %get3A_341 : vector<16xf32>
        %get3A_343 = arith.constant 35 : i32
        %get3A_344 = arith.index_cast %get3A_343 : i32 to index
        %get3A_345 = arith.constant 16 : index
        %get3A_346 = tpu.vector_load %arg11[%get3A_344, %get3A_345] {strides = array<i32>} : memref<48x64xf32, #tpu.memory_space<vmem>>, vector<16xf32>,
        %add3A_347 = arith.addf %add3A_327, %get3A_346 : vector<16xf32>
        %get3A_348 = arith.constant 35 : i32
        %get3A_349 = arith.index_cast %get3A_348 : i32 to index
        %get3A_350 = arith.constant 32 : index
        %get3A_351 = tpu.vector_load %arg11[%get3A_349, %get3A_350] {strides = array<i32>} : memref<48x64xf32, #tpu.memory_space<vmem>>, vector<16xf32>,
        %add3A_352 = arith.addf %add3A_332, %get3A_351 : vector<16xf32>
        %get3A_353 = arith.constant 35 : i32
        %get3A_354 = arith.index_cast %get3A_353 : i32 to index
        %get3A_355 = arith.constant 48 : index
        %get3A_356 = tpu.vector_load %arg11[%get3A_354, %get3A_355] {strides = array<i32>} : memref<48x64xf32, #tpu.memory_space<vmem>>, vector<16xf32>,
        %add3A_357 = arith.addf %add3A_337, %get3A_356 : vector<16xf32>
        %get3A_358 = arith.constant 36 : i32
        %get3A_359 = arith.index_cast %get3A_358 : i32 to index
        %get3A_360 = arith.constant 0 : index
        %get3A_361 = tpu.vector_load %arg11[%get3A_359, %get3A_360] {strides = array<i32>} : memref<48x64xf32, #tpu.memory_space<vmem>>, vector<16xf32>,
        %add3A_362 = arith.addf %add3A_342, %get3A_361 : vector<16xf32>
        %get3A_363 = arith.constant 36 : i32
        %get3A_364 = arith.index_cast %get3A_363 : i32 to index
        %get3A_365 = arith.constant 16 : index
        %get3A_366 = tpu.vector_load %arg11[%get3A_364, %get3A_365] {strides = array<i32>} : memref<48x64xf32, #tpu.memory_space<vmem>>, vector<16xf32>,
        %add3A_367 = arith.addf %add3A_347, %get3A_366 : vector<16xf32>
        %get3A_368 = arith.constant 36 : i32
        %get3A_369 = arith.index_cast %get3A_368 : i32 to index
        %get3A_370 = arith.constant 32 : index
        %get3A_371 = tpu.vector_load %arg11[%get3A_369, %get3A_370] {strides = array<i32>} : memref<48x64xf32, #tpu.memory_space<vmem>>, vector<16xf32>,
        %add3A_372 = arith.addf %add3A_352, %get3A_371 : vector<16xf32>
        %get3A_373 = arith.constant 36 : i32
        %get3A_374 = arith.index_cast %get3A_373 : i32 to index
        %get3A_375 = arith.constant 48 : index
        %get3A_376 = tpu.vector_load %arg11[%get3A_374, %get3A_375] {strides = array<i32>} : memref<48x64xf32, #tpu.memory_space<vmem>>, vector<16xf32>,
        %add3A_377 = arith.addf %add3A_357, %get3A_376 : vector<16xf32>
        %get3A_378 = arith.constant 37 : i32
        %get3A_379 = arith.index_cast %get3A_378 : i32 to index
        %get3A_380 = arith.constant 0 : index
        %get3A_381 = tpu.vector_load %arg11[%get3A_379, %get3A_380] {strides = array<i32>} : memref<48x64xf32, #tpu.memory_space<vmem>>, vector<16xf32>,
        %add3A_382 = arith.addf %add3A_362, %get3A_381 : vector<16xf32>
        %get3A_383 = arith.constant 37 : i32
        %get3A_384 = arith.index_cast %get3A_383 : i32 to index
        %get3A_385 = arith.constant 16 : index
        %get3A_386 = tpu.vector_load %arg11[%get3A_384, %get3A_385] {strides = array<i32>} : memref<48x64xf32, #tpu.memory_space<vmem>>, vector<16xf32>,
        %add3A_387 = arith.addf %add3A_367, %get3A_386 : vector<16xf32>
        %get3A_388 = arith.constant 37 : i32
        %get3A_389 = arith.index_cast %get3A_388 : i32 to index
        %get3A_390 = arith.constant 32 : index
        %get3A_391 = tpu.vector_load %arg11[%get3A_389, %get3A_390] {strides = array<i32>} : memref<48x64xf32, #tpu.memory_space<vmem>>, vector<16xf32>,
        %add3A_392 = arith.addf %add3A_372, %get3A_391 : vector<16xf32>
        %get3A_393 = arith.constant 37 : i32
        %get3A_394 = arith.index_cast %get3A_393 : i32 to index
        %get3A_395 = arith.constant 48 : index
        %get3A_396 = tpu.vector_load %arg11[%get3A_394, %get3A_395] {strides = array<i32>} : memref<48x64xf32, #tpu.memory_space<vmem>>, vector<16xf32>,
        %add3A_397 = arith.addf %add3A_377, %get3A_396 : vector<16xf32>
        %get3A_398 = arith.constant 38 : i32
        %get3A_399 = arith.index_cast %get3A_398 : i32 to index
        %get3A_400 = arith.constant 0 : index
        %get3A_401 = tpu.vector_load %arg11[%get3A_399, %get3A_400] {strides = array<i32>} : memref<48x64xf32, #tpu.memory_space<vmem>>, vector<16xf32>,
        %add3A_402 = arith.addf %add3A_382, %get3A_401 : vector<16xf32>
        %get3A_403 = arith.constant 38 : i32
        %get3A_404 = arith.index_cast %get3A_403 : i32 to index
        %get3A_405 = arith.constant 16 : index
        %get3A_406 = tpu.vector_load %arg11[%get3A_404, %get3A_405] {strides = array<i32>} : memref<48x64xf32, #tpu.memory_space<vmem>>, vector<16xf32>,
        %add3A_407 = arith.addf %add3A_387, %get3A_406 : vector<16xf32>
        %get3A_408 = arith.constant 38 : i32
        %get3A_409 = arith.index_cast %get3A_408 : i32 to index
        %get3A_410 = arith.constant 32 : index
        %get3A_411 = tpu.vector_load %arg11[%get3A_409, %get3A_410] {strides = array<i32>} : memref<48x64xf32, #tpu.memory_space<vmem>>, vector<16xf32>,
        %add3A_412 = arith.addf %add3A_392, %get3A_411 : vector<16xf32>
        %get3A_413 = arith.constant 38 : i32
        %get3A_414 = arith.index_cast %get3A_413 : i32 to index
        %get3A_415 = arith.constant 48 : index
        %get3A_416 = tpu.vector_load %arg11[%get3A_414, %get3A_415] {strides = array<i32>} : memref<48x64xf32, #tpu.memory_space<vmem>>, vector<16xf32>,
        %add3A_417 = arith.addf %add3A_397, %get3A_416 : vector<16xf32>
        %get3A_418 = arith.constant 39 : i32
        %get3A_419 = arith.index_cast %get3A_418 : i32 to index
        %get3A_420 = arith.constant 0 : index
        %get3A_421 = tpu.vector_load %arg11[%get3A_419, %get3A_420] {strides = array<i32>} : memref<48x64xf32, #tpu.memory_space<vmem>>, vector<16xf32>,
        %add3A_422 = arith.addf %add3A_402, %get3A_421 : vector<16xf32>
        %get3A_423 = arith.constant 39 : i32
        %get3A_424 = arith.index_cast %get3A_423 : i32 to index
        %get3A_425 = arith.constant 16 : index
        %get3A_426 = tpu.vector_load %arg11[%get3A_424, %get3A_425] {strides = array<i32>} : memref<48x64xf32, #tpu.memory_space<vmem>>, vector<16xf32>,
        %add3A_427 = arith.addf %add3A_407, %get3A_426 : vector<16xf32>
        %get3A_428 = arith.constant 39 : i32
        %get3A_429 = arith.index_cast %get3A_428 : i32 to index
        %get3A_430 = arith.constant 32 : index
        %get3A_431 = tpu.vector_load %arg11[%get3A_429, %get3A_430] {strides = array<i32>} : memref<48x64xf32, #tpu.memory_space<vmem>>, vector<16xf32>,
        %add3A_432 = arith.addf %add3A_412, %get3A_431 : vector<16xf32>
        %get3A_433 = arith.constant 39 : i32
        %get3A_434 = arith.index_cast %get3A_433 : i32 to index
        %get3A_435 = arith.constant 48 : index
        %get3A_436 = tpu.vector_load %arg11[%get3A_434, %get3A_435] {strides = array<i32>} : memref<48x64xf32, #tpu.memory_space<vmem>>, vector<16xf32>,
        %add3A_437 = arith.addf %add3A_417, %get3A_436 : vector<16xf32>
        %get3A_438 = arith.constant 40 : i32
        %get3A_439 = arith.index_cast %get3A_438 : i32 to index
        %get3A_440 = arith.constant 0 : index
        %get3A_441 = tpu.vector_load %arg11[%get3A_439, %get3A_440] {strides = array<i32>} : memref<48x64xf32, #tpu.memory_space<vmem>>, vector<16xf32>,
        %add3A_442 = arith.addf %add3A_422, %get3A_441 : vector<16xf32>
        %get3A_443 = arith.constant 40 : i32
        %get3A_444 = arith.index_cast %get3A_443 : i32 to index
        %get3A_445 = arith.constant 16 : index
        %get3A_446 = tpu.vector_load %arg11[%get3A_444, %get3A_445] {strides = array<i32>} : memref<48x64xf32, #tpu.memory_space<vmem>>, vector<16xf32>,
        %add3A_447 = arith.addf %add3A_427, %get3A_446 : vector<16xf32>
        %get3A_448 = arith.constant 40 : i32
        %get3A_449 = arith.index_cast %get3A_448 : i32 to index
        %get3A_450 = arith.constant 32 : index
        %get3A_451 = tpu.vector_load %arg11[%get3A_449, %get3A_450] {strides = array<i32>} : memref<48x64xf32, #tpu.memory_space<vmem>>, vector<16xf32>,
        %add3A_452 = arith.addf %add3A_432, %get3A_451 : vector<16xf32>
        %get3A_453 = arith.constant 40 : i32
        %get3A_454 = arith.index_cast %get3A_453 : i32 to index
        %get3A_455 = arith.constant 48 : index
        %get3A_456 = tpu.vector_load %arg11[%get3A_454, %get3A_455] {strides = array<i32>} : memref<48x64xf32, #tpu.memory_space<vmem>>, vector<16xf32>,
        %add3A_457 = arith.addf %add3A_437, %get3A_456 : vector<16xf32>
        %get3A_458 = arith.constant 41 : i32
        %get3A_459 = arith.index_cast %get3A_458 : i32 to index
        %get3A_460 = arith.constant 0 : index
        %get3A_461 = tpu.vector_load %arg11[%get3A_459, %get3A_460] {strides = array<i32>} : memref<48x64xf32, #tpu.memory_space<vmem>>, vector<16xf32>,
        %add3A_462 = arith.addf %add3A_442, %get3A_461 : vector<16xf32>
        %get3A_463 = arith.constant 41 : i32
        %get3A_464 = arith.index_cast %get3A_463 : i32 to index
        %get3A_465 = arith.constant 16 : index
        %get3A_466 = tpu.vector_load %arg11[%get3A_464, %get3A_465] {strides = array<i32>} : memref<48x64xf32, #tpu.memory_space<vmem>>, vector<16xf32>,
        %add3A_467 = arith.addf %add3A_447, %get3A_466 : vector<16xf32>
        %get3A_468 = arith.constant 41 : i32
        %get3A_469 = arith.index_cast %get3A_468 : i32 to index
        %get3A_470 = arith.constant 32 : index
        %get3A_471 = tpu.vector_load %arg11[%get3A_469, %get3A_470] {strides = array<i32>} : memref<48x64xf32, #tpu.memory_space<vmem>>, vector<16xf32>,
        %add3A_472 = arith.addf %add3A_452, %get3A_471 : vector<16xf32>
        %get3A_473 = arith.constant 41 : i32
        %get3A_474 = arith.index_cast %get3A_473 : i32 to index
        %get3A_475 = arith.constant 48 : index
        %get3A_476 = tpu.vector_load %arg11[%get3A_474, %get3A_475] {strides = array<i32>} : memref<48x64xf32, #tpu.memory_space<vmem>>, vector<16xf32>,
        %add3A_477 = arith.addf %add3A_457, %get3A_476 : vector<16xf32>
        %get3A_478 = arith.constant 42 : i32
        %get3A_479 = arith.index_cast %get3A_478 : i32 to index
        %get3A_480 = arith.constant 0 : index
        %get3A_481 = tpu.vector_load %arg11[%get3A_479, %get3A_480] {strides = array<i32>} : memref<48x64xf32, #tpu.memory_space<vmem>>, vector<16xf32>,
        %add3A_482 = arith.addf %add3A_462, %get3A_481 : vector<16xf32>
        %get3A_483 = arith.constant 42 : i32
        %get3A_484 = arith.index_cast %get3A_483 : i32 to index
        %get3A_485 = arith.constant 16 : index
        %get3A_486 = tpu.vector_load %arg11[%get3A_484, %get3A_485] {strides = array<i32>} : memref<48x64xf32, #tpu.memory_space<vmem>>, vector<16xf32>,
        %add3A_487 = arith.addf %add3A_467, %get3A_486 : vector<16xf32>
        %get3A_488 = arith.constant 42 : i32
        %get3A_489 = arith.index_cast %get3A_488 : i32 to index
        %get3A_490 = arith.constant 32 : index
        %get3A_491 = tpu.vector_load %arg11[%get3A_489, %get3A_490] {strides = array<i32>} : memref<48x64xf32, #tpu.memory_space<vmem>>, vector<16xf32>,
        %add3A_492 = arith.addf %add3A_472, %get3A_491 : vector<16xf32>
        %get3A_493 = arith.constant 42 : i32
        %get3A_494 = arith.index_cast %get3A_493 : i32 to index
        %get3A_495 = arith.constant 48 : index
        %get3A_496 = tpu.vector_load %arg11[%get3A_494, %get3A_495] {strides = array<i32>} : memref<48x64xf32, #tpu.memory_space<vmem>>, vector<16xf32>,
        %add3A_497 = arith.addf %add3A_477, %get3A_496 : vector<16xf32>
        %get3A_498 = arith.constant 43 : i32
        %get3A_499 = arith.index_cast %get3A_498 : i32 to index
        %get3A_500 = arith.constant 0 : index
        %get3A_501 = tpu.vector_load %arg11[%get3A_499, %get3A_500] {strides = array<i32>} : memref<48x64xf32, #tpu.memory_space<vmem>>, vector<16xf32>,
        %add3A_502 = arith.addf %add3A_482, %get3A_501 : vector<16xf32>
        %get3A_503 = arith.constant 43 : i32
        %get3A_504 = arith.index_cast %get3A_503 : i32 to index
        %get3A_505 = arith.constant 16 : index
        %get3A_506 = tpu.vector_load %arg11[%get3A_504, %get3A_505] {strides = array<i32>} : memref<48x64xf32, #tpu.memory_space<vmem>>, vector<16xf32>,
        %add3A_507 = arith.addf %add3A_487, %get3A_506 : vector<16xf32>
        %get3A_508 = arith.constant 43 : i32
        %get3A_509 = arith.index_cast %get3A_508 : i32 to index
        %get3A_510 = arith.constant 32 : index
        %get3A_511 = tpu.vector_load %arg11[%get3A_509, %get3A_510] {strides = array<i32>} : memref<48x64xf32, #tpu.memory_space<vmem>>, vector<16xf32>,
        %add3A_512 = arith.addf %add3A_492, %get3A_511 : vector<16xf32>
        %get3A_513 = arith.constant 43 : i32
        %get3A_514 = arith.index_cast %get3A_513 : i32 to index
        %get3A_515 = arith.constant 48 : index
        %get3A_516 = tpu.vector_load %arg11[%get3A_514, %get3A_515] {strides = array<i32>} : memref<48x64xf32, #tpu.memory_space<vmem>>, vector<16xf32>,
        %add3A_517 = arith.addf %add3A_497, %get3A_516 : vector<16xf32>
        %get3A_518 = arith.constant 44 : i32
        %get3A_519 = arith.index_cast %get3A_518 : i32 to index
        %get3A_520 = arith.constant 0 : index
        %get3A_521 = tpu.vector_load %arg11[%get3A_519, %get3A_520] {strides = array<i32>} : memref<48x64xf32, #tpu.memory_space<vmem>>, vector<16xf32>,
        %add3A_522 = arith.addf %add3A_502, %get3A_521 : vector<16xf32>
        %get3A_523 = arith.constant 44 : i32
        %get3A_524 = arith.index_cast %get3A_523 : i32 to index
        %get3A_525 = arith.constant 16 : index
        %get3A_526 = tpu.vector_load %arg11[%get3A_524, %get3A_525] {strides = array<i32>} : memref<48x64xf32, #tpu.memory_space<vmem>>, vector<16xf32>,
        %add3A_527 = arith.addf %add3A_507, %get3A_526 : vector<16xf32>
        %get3A_528 = arith.constant 44 : i32
        %get3A_529 = arith.index_cast %get3A_528 : i32 to index
        %get3A_530 = arith.constant 32 : index
        %get3A_531 = tpu.vector_load %arg11[%get3A_529, %get3A_530] {strides = array<i32>} : memref<48x64xf32, #tpu.memory_space<vmem>>, vector<16xf32>,
        %add3A_532 = arith.addf %add3A_512, %get3A_531 : vector<16xf32>
        %get3A_533 = arith.constant 44 : i32
        %get3A_534 = arith.index_cast %get3A_533 : i32 to index
        %get3A_535 = arith.constant 48 : index
        %get3A_536 = tpu.vector_load %arg11[%get3A_534, %get3A_535] {strides = array<i32>} : memref<48x64xf32, #tpu.memory_space<vmem>>, vector<16xf32>,
        %add3A_537 = arith.addf %add3A_517, %get3A_536 : vector<16xf32>
        %get3A_538 = arith.constant 45 : i32
        %get3A_539 = arith.index_cast %get3A_538 : i32 to index
        %get3A_540 = arith.constant 0 : index
        %get3A_541 = tpu.vector_load %arg11[%get3A_539, %get3A_540] {strides = array<i32>} : memref<48x64xf32, #tpu.memory_space<vmem>>, vector<16xf32>,
        %add3A_542 = arith.addf %add3A_522, %get3A_541 : vector<16xf32>
        %get3A_543 = arith.constant 45 : i32
        %get3A_544 = arith.index_cast %get3A_543 : i32 to index
        %get3A_545 = arith.constant 16 : index
        %get3A_546 = tpu.vector_load %arg11[%get3A_544, %get3A_545] {strides = array<i32>} : memref<48x64xf32, #tpu.memory_space<vmem>>, vector<16xf32>,
        %add3A_547 = arith.addf %add3A_527, %get3A_546 : vector<16xf32>
        %get3A_548 = arith.constant 45 : i32
        %get3A_549 = arith.index_cast %get3A_548 : i32 to index
        %get3A_550 = arith.constant 32 : index
        %get3A_551 = tpu.vector_load %arg11[%get3A_549, %get3A_550] {strides = array<i32>} : memref<48x64xf32, #tpu.memory_space<vmem>>, vector<16xf32>,
        %add3A_552 = arith.addf %add3A_532, %get3A_551 : vector<16xf32>
        %get3A_553 = arith.constant 45 : i32
        %get3A_554 = arith.index_cast %get3A_553 : i32 to index
        %get3A_555 = arith.constant 48 : index
        %get3A_556 = tpu.vector_load %arg11[%get3A_554, %get3A_555] {strides = array<i32>} : memref<48x64xf32, #tpu.memory_space<vmem>>, vector<16xf32>,
        %add3A_557 = arith.addf %add3A_537, %get3A_556 : vector<16xf32>
        %get3A_558 = arith.constant 46 : i32
        %get3A_559 = arith.index_cast %get3A_558 : i32 to index
        %get3A_560 = arith.constant 0 : index
        %get3A_561 = tpu.vector_load %arg11[%get3A_559, %get3A_560] {strides = array<i32>} : memref<48x64xf32, #tpu.memory_space<vmem>>, vector<16xf32>,
        %add3A_562 = arith.addf %add3A_542, %get3A_561 : vector<16xf32>
        %get3A_563 = arith.constant 46 : i32
        %get3A_564 = arith.index_cast %get3A_563 : i32 to index
        %get3A_565 = arith.constant 16 : index
        %get3A_566 = tpu.vector_load %arg11[%get3A_564, %get3A_565] {strides = array<i32>} : memref<48x64xf32, #tpu.memory_space<vmem>>, vector<16xf32>,
        %add3A_567 = arith.addf %add3A_547, %get3A_566 : vector<16xf32>
        %get3A_568 = arith.constant 46 : i32
        %get3A_569 = arith.index_cast %get3A_568 : i32 to index
        %get3A_570 = arith.constant 32 : index
        %get3A_571 = tpu.vector_load %arg11[%get3A_569, %get3A_570] {strides = array<i32>} : memref<48x64xf32, #tpu.memory_space<vmem>>, vector<16xf32>,
        %add3A_572 = arith.addf %add3A_552, %get3A_571 : vector<16xf32>
        %get3A_573 = arith.constant 46 : i32
        %get3A_574 = arith.index_cast %get3A_573 : i32 to index
        %get3A_575 = arith.constant 48 : index
        %get3A_576 = tpu.vector_load %arg11[%get3A_574, %get3A_575] {strides = array<i32>} : memref<48x64xf32, #tpu.memory_space<vmem>>, vector<16xf32>,
        %add3A_577 = arith.addf %add3A_557, %get3A_576 : vector<16xf32>
        %get3A_578 = arith.constant 47 : i32
        %get3A_579 = arith.index_cast %get3A_578 : i32 to index
        %get3A_580 = arith.constant 0 : index
        %get3A_581 = tpu.vector_load %arg11[%get3A_579, %get3A_580] {strides = array<i32>} : memref<48x64xf32, #tpu.memory_space<vmem>>, vector<16xf32>,
        %add3A_582 = arith.addf %add3A_562, %get3A_581 : vector<16xf32>
        %get3A_583 = arith.constant 47 : i32
        %get3A_584 = arith.index_cast %get3A_583 : i32 to index
        %get3A_585 = arith.constant 16 : index
        %get3A_586 = tpu.vector_load %arg11[%get3A_584, %get3A_585] {strides = array<i32>} : memref<48x64xf32, #tpu.memory_space<vmem>>, vector<16xf32>,
        %add3A_587 = arith.addf %add3A_567, %get3A_586 : vector<16xf32>
        %get3A_588 = arith.constant 47 : i32
        %get3A_589 = arith.index_cast %get3A_588 : i32 to index
        %get3A_590 = arith.constant 32 : index
        %get3A_591 = tpu.vector_load %arg11[%get3A_589, %get3A_590] {strides = array<i32>} : memref<48x64xf32, #tpu.memory_space<vmem>>, vector<16xf32>,
        %add3A_592 = arith.addf %add3A_572, %get3A_591 : vector<16xf32>
        %get3A_593 = arith.constant 47 : i32
        %get3A_594 = arith.index_cast %get3A_593 : i32 to index
        %get3A_595 = arith.constant 48 : index
        %get3A_596 = tpu.vector_load %arg11[%get3A_594, %get3A_595] {strides = array<i32>} : memref<48x64xf32, #tpu.memory_space<vmem>>, vector<16xf32>,
        %add3A_597 = arith.addf %add3A_577, %get3A_596 : vector<16xf32>
        %swap3A_598 = arith.constant 0 : index
        %swap3A_599 = tpu.vector_load %arg12[%swap3A_598] {strides = array<i32>} : memref<64xf32, #tpu.memory_space<vmem>>, vector<16xf32>,
        tpu.vector_store %arg12[%swap3A_598], %add3A_582 {strides = array<i32>} : memref<64xf32, #tpu.memory_space<vmem>>, vector<16xf32>,
        %swap3A_600 = arith.constant 16 : index
        %swap3A_601 = tpu.vector_load %arg12[%swap3A_600] {strides = array<i32>} : memref<64xf32, #tpu.memory_space<vmem>>, vector<16xf32>,
        tpu.vector_store %arg12[%swap3A_600], %add3A_587 {strides = array<i32>} : memref<64xf32, #tpu.memory_space<vmem>>, vector<16xf32>,
        %swap3A_602 = arith.constant 32 : index
        %swap3A_603 = tpu.vector_load %arg12[%swap3A_602] {strides = array<i32>} : memref<64xf32, #tpu.memory_space<vmem>>, vector<16xf32>,
        tpu.vector_store %arg12[%swap3A_602], %add3A_592 {strides = array<i32>} : memref<64xf32, #tpu.memory_space<vmem>>, vector<16xf32>,
        %swap3A_604 = arith.constant 48 : index
        %swap3A_605 = tpu.vector_load %arg12[%swap3A_604] {strides = array<i32>} : memref<64xf32, #tpu.memory_space<vmem>>, vector<16xf32>,
        tpu.vector_store %arg12[%swap3A_604], %add3A_597 {strides = array<i32>} : memref<64xf32, #tpu.memory_space<vmem>>, vector<16xf32>,
        %scan3A_606 = arith.constant 0 : i32
        %scan3A_607 = arith.constant 20 : i32
        %scan3A_608 = arith.addi %scan3A_606, %scan3A_607 : i32
        %scan3A_609 = arith.constant 1 : i32
        scf.for %scan3A_773 = %scan3A_606 to %scan3A_608 step %scan3A_609  : i32 {
          %mul3A_774 = arith.constant 1 : i32
          %mul3A_775 = arith.muli %scan3A_773, %mul3A_774 : i32
          %add3A_776 = arith.constant 0 : i32
          %add3A_777 = arith.addi %add3A_776, %mul3A_775 : i32
          %get3A_778 = arith.index_cast %add3A_777 : i32 to index
          %get3A_779 = arith.constant 0 : index
          %get3A_780 = tpu.vector_load %arg11[%get3A_778, %get3A_779] {strides = array<i32>} : memref<48x64xf32, #tpu.memory_space<vmem>>, vector<16xf32>,
          %get3A_781 = arith.constant 0 : index
          %get3A_782 = tpu.vector_load %arg12[%get3A_781] {strides = array<i32>} : memref<64xf32, #tpu.memory_space<vmem>>, vector<16xf32>,
          %mul3A_783 = arith.mulf %get3A_780, %get3A_782 : vector<16xf32>
          %get3A_784 = arith.index_cast %add3A_777 : i32 to index
          %get3A_785 = arith.constant 16 : index
          %get3A_786 = tpu.vector_load %arg11[%get3A_784, %get3A_785] {strides = array<i32>} : memref<48x64xf32, #tpu.memory_space<vmem>>, vector<16xf32>,
          %get3A_787 = arith.constant 16 : index
          %get3A_788 = tpu.vector_load %arg12[%get3A_787] {strides = array<i32>} : memref<64xf32, #tpu.memory_space<vmem>>, vector<16xf32>,
          %mul3A_789 = arith.mulf %get3A_786, %get3A_788 : vector<16xf32>
          %add3A_790 = arith.addf %mul3A_783, %mul3A_789 : vector<16xf32>
          %get3A_791 = arith.index_cast %add3A_777 : i32 to index
          %get3A_792 = arith.constant 32 : index
          %get3A_793 = tpu.vector_load %arg11[%get3A_791, %get3A_792] {strides = array<i32>} : memref<48x64xf32, #tpu.memory_space<vmem>>, vector<16xf32>,
          %get3A_794 = arith.constant 32 : index
          %get3A_795 = tpu.vector_load %arg12[%get3A_794] {strides = array<i32>} : memref<64xf32, #tpu.memory_space<vmem>>, vector<16xf32>,
          %mul3A_796 = arith.mulf %get3A_793, %get3A_795 : vector<16xf32>
          %add3A_797 = arith.addf %add3A_790, %mul3A_796 : vector<16xf32>
          %get3A_798 = arith.index_cast %add3A_777 : i32 to index
          %get3A_799 = arith.constant 48 : index
          %get3A_800 = tpu.vector_load %arg11[%get3A_798, %get3A_799] {strides = array<i32>} : memref<48x64xf32, #tpu.memory_space<vmem>>, vector<16xf32>,
          %get3A_801 = arith.constant 48 : index
          %get3A_802 = tpu.vector_load %arg12[%get3A_801] {strides = array<i32>} : memref<64xf32, #tpu.memory_space<vmem>>, vector<16xf32>,
          %mul3A_803 = arith.mulf %get3A_800, %get3A_802 : vector<16xf32>
          %add3A_804 = arith.addf %add3A_797, %mul3A_803 : vector<16xf32>
          %reduce_sum3A_805 = arith.constant true
          %reduce_sum3A_806 = vector.broadcast %reduce_sum3A_805 : i1 to vector<16xi1>
          %reduce_sum3A_807 = tpu.scan <sum>, %add3A_804 masked %reduce_sum3A_806 : vector<16xf32>, vector<16xi1> -> vector<16xf32>
          %reduce_sum3A_808 = vector.extract %reduce_sum3A_807[15] : f32 from vector<16xf32>
          %mul3A_809 = arith.constant 2.000000e-02 : f32
          %mul3A_810 = arith.mulf %reduce_sum3A_808, %mul3A_809 : f32
          %broadcast_in_dim3A_811 = vector.broadcast %add3A_777 : i32 to vector<16xi32>
          %broadcast_in_dim3A_812 = vector.broadcast %mul3A_810 : f32 to vector<16xf32>
          %eq3A_813 = arith.constant 0 : i32
          %eq3A_814 = vector.broadcast %eq3A_813 : i32 to vector<16xi32>
          %eq3A_815 = arith.cmpi eq, %iota3A, %eq3A_814 : vector<16xi32>
          tpu.vector_store_idx %arg13[%broadcast_in_dim3A_811], %broadcast_in_dim3A_812 masked %eq3A_815 : memref<32xf32, #tpu.memory_space<vmem>>[vector<16xi32>], vector<16xf32>, vector<16xi1>
        }
        %scan3A_610 = arith.constant 20 : i32
        %get3A_611 = arith.constant 24 : i32
        %get3A_612 = arith.index_cast %get3A_611 : i32 to index
        %get3A_613 = arith.constant 0 : index
        %get3A_614 = tpu.vector_load %arg11[%get3A_612, %get3A_613] {strides = array<i32>} : memref<48x64xf32, #tpu.memory_space<vmem>>, vector<16xf32>,
        %get3A_615 = arith.constant 0 : index
        %get3A_616 = tpu.vector_load %arg12[%get3A_615] {strides = array<i32>} : memref<64xf32, #tpu.memory_space<vmem>>, vector<16xf32>,
        %mul3A_617 = arith.mulf %get3A_614, %get3A_616 : vector<16xf32>
        %get3A_618 = arith.constant 24 : i32
        %get3A_619 = arith.index_cast %get3A_618 : i32 to index
        %get3A_620 = arith.constant 16 : index
        %get3A_621 = tpu.vector_load %arg11[%get3A_619, %get3A_620] {strides = array<i32>} : memref<48x64xf32, #tpu.memory_space<vmem>>, vector<16xf32>,
        %get3A_622 = arith.constant 16 : index
        %get3A_623 = tpu.vector_load %arg12[%get3A_622] {strides = array<i32>} : memref<64xf32, #tpu.memory_space<vmem>>, vector<16xf32>,
        %mul3A_624 = arith.mulf %get3A_621, %get3A_623 : vector<16xf32>
        %add3A_625 = arith.addf %mul3A_617, %mul3A_624 : vector<16xf32>
        %get3A_626 = arith.constant 24 : i32
        %get3A_627 = arith.index_cast %get3A_626 : i32 to index
        %get3A_628 = arith.constant 32 : index
        %get3A_629 = tpu.vector_load %arg11[%get3A_627, %get3A_628] {strides = array<i32>} : memref<48x64xf32, #tpu.memory_space<vmem>>, vector<16xf32>,
        %get3A_630 = arith.constant 32 : index
        %get3A_631 = tpu.vector_load %arg12[%get3A_630] {strides = array<i32>} : memref<64xf32, #tpu.memory_space<vmem>>, vector<16xf32>,
        %mul3A_632 = arith.mulf %get3A_629, %get3A_631 : vector<16xf32>
        %add3A_633 = arith.addf %add3A_625, %mul3A_632 : vector<16xf32>
        %get3A_634 = arith.constant 24 : i32
        %get3A_635 = arith.index_cast %get3A_634 : i32 to index
        %get3A_636 = arith.constant 48 : index
        %get3A_637 = tpu.vector_load %arg11[%get3A_635, %get3A_636] {strides = array<i32>} : memref<48x64xf32, #tpu.memory_space<vmem>>, vector<16xf32>,
        %get3A_638 = arith.constant 48 : index
        %get3A_639 = tpu.vector_load %arg12[%get3A_638] {strides = array<i32>} : memref<64xf32, #tpu.memory_space<vmem>>, vector<16xf32>,
        %mul3A_640 = arith.mulf %get3A_637, %get3A_639 : vector<16xf32>
        %add3A_641 = arith.addf %add3A_633, %mul3A_640 : vector<16xf32>
        %reduce_sum3A_642 = arith.constant true
        %reduce_sum3A_643 = vector.broadcast %reduce_sum3A_642 : i1 to vector<16xi1>
        %reduce_sum3A_644 = tpu.scan <sum>, %add3A_641 masked %reduce_sum3A_643 : vector<16xf32>, vector<16xi1> -> vector<16xf32>
        %reduce_sum3A_645 = vector.extract %reduce_sum3A_644[15] : f32 from vector<16xf32>
        %mul3A_646 = arith.constant 2.000000e-02 : f32
        %mul3A_647 = arith.mulf %reduce_sum3A_645, %mul3A_646 : f32
        %broadcast_in_dim3A_648 = arith.constant -1.000000e+02 : f32
        %broadcast_in_dim3A_649 = vector.broadcast %broadcast_in_dim3A_648 : f32 to vector<16xf32>
        %get3A_650 = arith.constant 0 : index
        %get3A_651 = tpu.vector_load %arg13[%get3A_650] {strides = array<i32>} : memref<32xf32, #tpu.memory_space<vmem>>, vector<16xf32>,
        %lt3A_652 = arith.constant 4 : i32
        %lt3A_653 = vector.broadcast %lt3A_652 : i32 to vector<16xi32>
        %lt3A_654 = arith.cmpi slt, %iota3A, %lt3A_653 : vector<16xi32>
        %get3A_655 = arith.constant 16 : index
        %get3A_656 = tpu.vector_load %arg13[%get3A_655] {strides = array<i32>} : memref<32xf32, #tpu.memory_space<vmem>>, vector<16xf32>,
        %eq3A_657 = arith.constant 4 : i32
        %eq3A_658 = vector.broadcast %eq3A_657 : i32 to vector<16xi32>
        %eq3A_659 = arith.cmpi eq, %iota3A, %eq3A_658 : vector<16xi32>
        %neg3A = arith.constant 0.000000e+00 : f32
        %neg3A_660 = arith.subf %neg3A, %mul3A_647 : f32
        %broadcast_in_dim3A_661 = vector.broadcast %neg3A_660 : f32 to vector<16xf32>
        %select_n3A_662 = arith.select %eq3A_659, %broadcast_in_dim3A_661, %broadcast_in_dim3A_649 : vector<16xi1>, vector<16xf32>
        %select_n3A_663 = arith.select %lt3A_654, %get3A_656, %select_n3A_662 : vector<16xi1>, vector<16xf32>
        %max3A = arith.constant 0.000000e+00 : f32
        %max3A_664 = vector.broadcast %max3A : f32 to vector<16xf32>
        %max3A_665 = arith.maximumf %get3A_651, %max3A_664 : vector<16xf32>
        %abs3A = math.absf %get3A_651 : vector<16xf32>
        %neg3A_666 = arith.constant 0.000000e+00 : f32
        %neg3A_667 = vector.broadcast %neg3A_666 : f32 to vector<16xf32>
        %neg3A_668 = arith.subf %neg3A_667, %abs3A : vector<16xf32>
        %exp3A = math.exp %neg3A_668 : vector<16xf32>
        %add3A_669 = arith.constant 1.000000e+00 : f32
        %add3A_670 = vector.broadcast %add3A_669 : f32 to vector<16xf32>
        %add3A_671 = arith.addf %add3A_670, %exp3A : vector<16xf32>
        %add3A_672 = arith.constant 6.000000e+00 : f32
        %add3A_673 = vector.broadcast %add3A_672 : f32 to vector<16xf32>
        %add3A_674 = arith.addf %add3A_673, %exp3A : vector<16xf32>
        %mul3A_675 = arith.mulf %exp3A, %add3A_674 : vector<16xf32>
        %mul3A_676 = arith.constant 4.000000e+00 : f32
        %mul3A_677 = vector.broadcast %mul3A_676 : f32 to vector<16xf32>
        %mul3A_678 = arith.mulf %mul3A_677, %exp3A : vector<16xf32>
        %add3A_679 = arith.constant 6.000000e+00 : f32
        %add3A_680 = vector.broadcast %add3A_679 : f32 to vector<16xf32>
        %add3A_681 = arith.addf %add3A_680, %mul3A_678 : vector<16xf32>
        %div3A_682 = arith.divf %mul3A_675, %add3A_681 : vector<16xf32>
        %neg3A_683 = arith.constant 0.000000e+00 : f32
        %neg3A_684 = vector.broadcast %neg3A_683 : f32 to vector<16xf32>
        %neg3A_685 = arith.subf %neg3A_684, %div3A_682 : vector<16xf32>
        %exp3A_686 = math.exp %neg3A_685 : vector<16xf32>
        %mul3A_687 = arith.mulf %add3A_671, %exp3A_686 : vector<16xf32>
        %add3A_688 = arith.addf %div3A_682, %mul3A_687 : vector<16xf32>
        %sub3A_689 = arith.constant 1.000000e+00 : f32
        %sub3A_690 = vector.broadcast %sub3A_689 : f32 to vector<16xf32>
        %sub3A_691 = arith.subf %add3A_688, %sub3A_690 : vector<16xf32>
        %neg3A_692 = arith.constant 0.000000e+00 : f32
        %neg3A_693 = vector.broadcast %neg3A_692 : f32 to vector<16xf32>
        %neg3A_694 = arith.subf %neg3A_693, %sub3A_691 : vector<16xf32>
        %exp3A_695 = math.exp %neg3A_694 : vector<16xf32>
        %mul3A_696 = arith.mulf %add3A_671, %exp3A_695 : vector<16xf32>
        %add3A_697 = arith.addf %sub3A_691, %mul3A_696 : vector<16xf32>
        %sub3A_698 = arith.constant 1.000000e+00 : f32
        %sub3A_699 = vector.broadcast %sub3A_698 : f32 to vector<16xf32>
        %sub3A_700 = arith.subf %add3A_697, %sub3A_699 : vector<16xf32>
        %neg3A_701 = arith.constant 0.000000e+00 : f32
        %neg3A_702 = vector.broadcast %neg3A_701 : f32 to vector<16xf32>
        %neg3A_703 = arith.subf %neg3A_702, %sub3A_700 : vector<16xf32>
        %exp3A_704 = math.exp %neg3A_703 : vector<16xf32>
        %mul3A_705 = arith.mulf %add3A_671, %exp3A_704 : vector<16xf32>
        %add3A_706 = arith.addf %sub3A_700, %mul3A_705 : vector<16xf32>
        %sub3A_707 = arith.constant 1.000000e+00 : f32
        %sub3A_708 = vector.broadcast %sub3A_707 : f32 to vector<16xf32>
        %sub3A_709 = arith.subf %add3A_706, %sub3A_708 : vector<16xf32>
        %add3A_710 = arith.addf %max3A_665, %sub3A_709 : vector<16xf32>
        %reduce_sum3A_711 = arith.constant true
        %reduce_sum3A_712 = vector.broadcast %reduce_sum3A_711 : i1 to vector<16xi1>
        %reduce_sum3A_713 = tpu.scan <sum>, %add3A_710 masked %reduce_sum3A_712 : vector<16xf32>, vector<16xi1> -> vector<16xf32>
        %reduce_sum3A_714 = vector.extract %reduce_sum3A_713[15] : f32 from vector<16xf32>
        %max3A_715 = arith.constant 0.000000e+00 : f32
        %max3A_716 = vector.broadcast %max3A_715 : f32 to vector<16xf32>
        %max3A_717 = arith.maximumf %select_n3A_663, %max3A_716 : vector<16xf32>
        %abs3A_718 = math.absf %select_n3A_663 : vector<16xf32>
        %neg3A_719 = arith.constant 0.000000e+00 : f32
        %neg3A_720 = vector.broadcast %neg3A_719 : f32 to vector<16xf32>
        %neg3A_721 = arith.subf %neg3A_720, %abs3A_718 : vector<16xf32>
        %exp3A_722 = math.exp %neg3A_721 : vector<16xf32>
        %add3A_723 = arith.constant 1.000000e+00 : f32
        %add3A_724 = vector.broadcast %add3A_723 : f32 to vector<16xf32>
        %add3A_725 = arith.addf %add3A_724, %exp3A_722 : vector<16xf32>
        %add3A_726 = arith.constant 6.000000e+00 : f32
        %add3A_727 = vector.broadcast %add3A_726 : f32 to vector<16xf32>
        %add3A_728 = arith.addf %add3A_727, %exp3A_722 : vector<16xf32>
        %mul3A_729 = arith.mulf %exp3A_722, %add3A_728 : vector<16xf32>
        %mul3A_730 = arith.constant 4.000000e+00 : f32
        %mul3A_731 = vector.broadcast %mul3A_730 : f32 to vector<16xf32>
        %mul3A_732 = arith.mulf %mul3A_731, %exp3A_722 : vector<16xf32>
        %add3A_733 = arith.constant 6.000000e+00 : f32
        %add3A_734 = vector.broadcast %add3A_733 : f32 to vector<16xf32>
        %add3A_735 = arith.addf %add3A_734, %mul3A_732 : vector<16xf32>
        %div3A_736 = arith.divf %mul3A_729, %add3A_735 : vector<16xf32>
        %neg3A_737 = arith.constant 0.000000e+00 : f32
        %neg3A_738 = vector.broadcast %neg3A_737 : f32 to vector<16xf32>
        %neg3A_739 = arith.subf %neg3A_738, %div3A_736 : vector<16xf32>
        %exp3A_740 = math.exp %neg3A_739 : vector<16xf32>
        %mul3A_741 = arith.mulf %add3A_725, %exp3A_740 : vector<16xf32>
        %add3A_742 = arith.addf %div3A_736, %mul3A_741 : vector<16xf32>
        %sub3A_743 = arith.constant 1.000000e+00 : f32
        %sub3A_744 = vector.broadcast %sub3A_743 : f32 to vector<16xf32>
        %sub3A_745 = arith.subf %add3A_742, %sub3A_744 : vector<16xf32>
        %neg3A_746 = arith.constant 0.000000e+00 : f32
        %neg3A_747 = vector.broadcast %neg3A_746 : f32 to vector<16xf32>
        %neg3A_748 = arith.subf %neg3A_747, %sub3A_745 : vector<16xf32>
        %exp3A_749 = math.exp %neg3A_748 : vector<16xf32>
        %mul3A_750 = arith.mulf %add3A_725, %exp3A_749 : vector<16xf32>
        %add3A_751 = arith.addf %sub3A_745, %mul3A_750 : vector<16xf32>
        %sub3A_752 = arith.constant 1.000000e+00 : f32
        %sub3A_753 = vector.broadcast %sub3A_752 : f32 to vector<16xf32>
        %sub3A_754 = arith.subf %add3A_751, %sub3A_753 : vector<16xf32>
        %neg3A_755 = arith.constant 0.000000e+00 : f32
        %neg3A_756 = vector.broadcast %neg3A_755 : f32 to vector<16xf32>
        %neg3A_757 = arith.subf %neg3A_756, %sub3A_754 : vector<16xf32>
        %exp3A_758 = math.exp %neg3A_757 : vector<16xf32>
        %mul3A_759 = arith.mulf %add3A_725, %exp3A_758 : vector<16xf32>
        %add3A_760 = arith.addf %sub3A_754, %mul3A_759 : vector<16xf32>
        %sub3A_761 = arith.constant 1.000000e+00 : f32
        %sub3A_762 = vector.broadcast %sub3A_761 : f32 to vector<16xf32>
        %sub3A_763 = arith.subf %add3A_760, %sub3A_762 : vector<16xf32>
        %add3A_764 = arith.addf %max3A_717, %sub3A_763 : vector<16xf32>
        %reduce_sum3A_765 = arith.constant true
        %reduce_sum3A_766 = vector.broadcast %reduce_sum3A_765 : i1 to vector<16xi1>
        %reduce_sum3A_767 = tpu.scan <sum>, %add3A_764 masked %reduce_sum3A_766 : vector<16xf32>, vector<16xi1> -> vector<16xf32>
        %reduce_sum3A_768 = vector.extract %reduce_sum3A_767[15] : f32 from vector<16xf32>
        %add3A_769 = arith.addf %reduce_sum3A_714, %reduce_sum3A_768 : f32
        %broadcast_in_dim3A_770 = vector.broadcast %add3A_769 : f32 to vector<16xf32>
        %swap3A_771 = arith.constant 0 : index
        %swap3A_772 = tpu.vector_load %arg14[%swap3A_771] {strides = array<i32>} : memref<16xf32, #tpu.memory_space<vmem>>, vector<16xf32>,
        tpu.vector_store %arg14[%swap3A_771], %broadcast_in_dim3A_770 {strides = array<i32>} : memref<16xf32, #tpu.memory_space<vmem>>, vector<16xf32>,
        "tpu.region"() ({
          %run_scoped3A = tpu.sem_alloc : memref<!tpu.dma_semaphore, #tpu.memory_space<semaphore_mem>>
          %dma_start3A_773 = arith.constant 0 : i32
          %dma_start3A_774 = tpu.memref_slice %arg14[%dma_start3A_773] : memref<16xf32, #tpu.memory_space<vmem>> -> memref<1xf32, #tpu.memory_space<vmem>>
          %dma_start3A_775 = arith.constant 0 : i32
          %dma_start3A_776 = tpu.memref_slice %arg14[%dma_start3A_775] : memref<16xf32, #tpu.memory_space<vmem>> -> memref<1xf32, #tpu.memory_space<vmem>>
          tpu.enqueue_dma source(%dma_start3A_776 : memref<1xf32, #tpu.memory_space<vmem>>) target(%arg7 : memref<1xf32, #tpu.memory_space<hbm>>) target_semaphore(%run_scoped3A : memref<!tpu.dma_semaphore, #tpu.memory_space<semaphore_mem>>)
          %dma_wait3A_777 = arith.constant 0 : i32
          %dma_wait3A_778 = tpu.memref_slice %arg14[%dma_wait3A_777] : memref<16xf32, #tpu.memory_space<vmem>> -> memref<1xf32, #tpu.memory_space<vmem>>
          %dma_wait3A_779 = arith.constant 0 : i32
          %dma_wait3A_780 = tpu.memref_slice %arg14[%dma_wait3A_779] : memref<16xf32, #tpu.memory_space<vmem>> -> memref<1xf32, #tpu.memory_space<vmem>>
          tpu.wait_dma2 semaphore(%run_scoped3A : memref<!tpu.dma_semaphore, #tpu.memory_space<semaphore_mem>>) src(%dma_wait3A_780 : memref<1xf32, #tpu.memory_space<vmem>>) dst(%arg7 : memref<1xf32, #tpu.memory_space<hbm>>)
          tpu.yield
        }) : () -> ()
      } else {
      }
    } else {
    }
    return
  }
}

</mosaic_0001>

<sc_bundles>
// kernel: _cbow_loss.3.cloned.1.call-start
scs
__scs_entry_jumppad:
0x0: {  	(pc) =	sbr.rel $0x88, $3  }
0x1: {  	(tag) =	ssettag $0x0;
	lr =	simm.s32 $0x1  }
0x2: {  	[smem:$0x3F9C] =	sst lr;
	_ =	strace $0xD0000000  }
0x3: {  	_ = 	snop  }
0x4: {  	_ = 	snop  }
0x5: {  	_ = 	snop  }
0x6: {  	_ = 	snop  }
0x7: {  	_ = 	snop  }
__scs_overlays_trampoline_lowered:
0x8: {  	[smem:$0x3FAB] =	sst s0  }
0x9: {  	[smem:$0x3FAC] =	sst s1  }
0xa: {  	[smem:$0x3FAD] =	sst s2  }
0xb: {  	[smem:$0x3FAE] =	sst s3  }
0xc: {  	[smem:$0x3FAF] =	sst s4  }
0xd: {  	[smem:$0x3FB0] =	sst s5  }
0xe: {  	[smem:$0x3FB1] =	sst s6  }
0xf: {  	[smem:$0x3FB2] =	sst s7  }
0x10: {  	[smem:$0x3FB3] =	sst s8  }
0x11: {  	[smem:$0x3FB4] =	sst s9;
	s0 =	simm.s32 @!p0 $0x0  }
0x12: {  	s1 =	sld [smem:$0x3F9A];
	s0 =	simm.s32 @p0 $0x1  }
0x13: {  	[smem:$0x3FB5] =	sst s0;
	s0 =	simm.s32 @!p1 $0x0  }
0x14: {  	s2 =	sld [smem:$0x3F99];
	s0 =	simm.s32 @p1 $0x1  }
0x15: {  	[smem:$0x3FB6] =	sst s0;
	s0 =	simm.s32 @!p2 $0x0  }
0x16: {  	s3 =	sld [smem:$0x3FDB];
	s0 =	simm.s32 @p2 $0x1  }
0x17: {  	s4 =	simm.s32 $0x1BF5;
	[smem:$0x3FB8] =	sst s0  }
0x18: {  	s0 =	sld [smem:$0x3F9B];
	_ =	swait.ge [sflag:s4], $0x0  }
0x19: {  	s7 =	sld [smem:$0x3F9C]  }
0x1a: {  	s8 =	sadd.s32 $0xFFFFE003, lr  }
0x1b: {  	s9 =	sadd.s32 $0xFFFFFEF7, lr;
	s5 =	simm.s32 $0xFFFFFFFF;
	p2 =	slt.u32 s8, $0xFFFFF086  }
0x1c: {  	p1 =	slt.u32 s9, $0xF7A;
	s5 =	simm.s32 @!p2 $0x0  }
0x1d: {  	s5 =	simm.s32 @p1 $0x1;
	p0 =	seq.s32 s7, s2  }
0x1e: {  	s7 =	smul.u32 @!p0 $0xF7A, s2;
	p2 =	seq.s32 @!p0 s5, $0x0  }
0x1f: {  	s9 =	smul.u32 $0xF7A, s1;
	s8 =	simm.s32 @!p0 $0x1BF5;
	p2 =	por !p2, p0  }
0x20: {  	[sflag:s8] =	ssyncset.s32 @!p0 $0xFFFFF086;
	s6 =	sadd.s32 @!p0 s3, s7;
	s7 =	simm.s32 @!p0 $0x108  }
0x21: {  	s3 =	sadd.s32 s3, s9;
	s6 =	sadd.s32 @!p0 $0x88, s6;
	s7 =	simm.s32 @p2 $0x1082  }
0x22: {  	[simem:s7], [sflag:s8] =	dma.local @!p0 [hbm:s6], $0xF7A  }
0x23: {  	s9 =	sor.u32 $0xD0000000, s2;
	s6 =	simm.s32 $0x108;
	_ =	swait.ge @!p0 [sflag:s8], $0x0  }
0x24: {  	s3 =	sadd.s32 $0x88, s3;
	s6 =	simm.s32 @!p1 $0x1082;
	[sflag:s4] =	ssyncset.s32 $0xFFFFF086  }
0x25: {  	[simem:s6], [sflag:s4] =	dma.local [hbm:s3], $0xF7A  }
0x26: {  	[smem:$0x3F9C] =	sst s1;
	(tag) =	ssettag s2;
	_ =	strace s9  }
0x27: {  	s1 =	sld [smem:$0x3FAC]  }
0x28: {  	s2 =	sld [smem:$0x3FAD]  }
0x29: {  	s4 =	sld [smem:$0x3FAF]  }
0x2a: {  	p0 =	seq.s32 s5, $0x0;
	s5 =	sld [smem:$0x3FB0]  }
0x2b: {  	s6 =	sld [smem:$0x3FB1]  }
0x2c: {  	s7 =	sld [smem:$0x3FB2]  }
0x2d: {  	s3 =	simm.s32 $0x108;
	s8 =	sld [smem:$0x3FB3]  }
0x2e: {  	s3 =	simm.s32 @!p0 $0x1082;
	s9 =	sld [smem:$0x3FB4]  }
0x2f: {  	lr =	sadd.s32 s0, s3;
	s0 =	sld [smem:$0x3FAB]  }
0x30: {  	s3 =	sld [smem:$0x3FAE]  }
0x31: {  	[smem:$0x3FB7] =	sst s10  }
0x32: {  	s10 =	sld [smem:$0x3FB5];
	_ =	sdelay $0x3  }
0x33: {  	p0 =	seq.s32 s10, $0x1;
	s10 =	sld [smem:$0x3FB7];
	_ =	sdelay $0x3  }
0x34: {  	[smem:$0x3FB7] =	sst s10  }
0x35: {  	s10 =	sld [smem:$0x3FB6];
	_ =	sdelay $0x3  }
0x36: {  	p1 =	seq.s32 s10, $0x1;
	s10 =	sld [smem:$0x3FB7];
	_ =	sdelay $0x3  }
0x37: {  	[smem:$0x3FB7] =	sst s10  }
0x38: {  	s10 =	sld [smem:$0x3FB8]  }
0x39: {  	_ = 	snop;
	(pc) =	sbr.ind lr, $3  }
0x3a: {  	_ = 	snop  }
0x3b: {  	_ = 	snop  }
0x3c: {  	p2 =	seq.s32 s10, $0x1;
	s10 =	sld [smem:$0x3FB7]  }
0x3d: {  	_ =	shalt  }
0x3e: {  	_ =	shalt  }
0x3f: {  	_ =	shalt  }
0x40: {  	_ =	shalt  }
0x41: {  	_ =	shalt  }
0x42: {  	_ =	shalt  }
0x43: {  	_ =	shalt  }
0x44: {  	_ =	shalt  }
0x45: {  	_ =	shalt  }
0x46: {  	_ =	shalt  }
0x47: {  	_ =	shalt  }
0x48: {  	_ =	shalt  }
0x49: {  	_ =	shalt  }
0x4a: {  	_ =	shalt  }
0x4b: {  	_ =	shalt  }
0x4c: {  	_ =	shalt  }
0x4d: {  	_ =	shalt  }
0x4e: {  	_ =	shalt  }
0x4f: {  	_ =	shalt  }
0x50: {  	_ =	shalt  }
0x51: {  	_ =	shalt  }
0x52: {  	_ =	shalt  }
0x53: {  	_ =	shalt  }
0x54: {  	_ =	shalt  }
0x55: {  	_ =	shalt  }
0x56: {  	_ =	shalt  }
0x57: {  	_ =	shalt  }
0x58: {  	_ =	shalt  }
0x59: {  	_ =	shalt  }
0x5a: {  	_ =	shalt  }
0x5b: {  	_ =	shalt  }
0x5c: {  	_ =	shalt  }
0x5d: {  	_ =	shalt  }
0x5e: {  	_ =	shalt  }
0x5f: {  	_ =	shalt  }
0x60: {  	_ =	shalt  }
0x61: {  	_ =	shalt  }
0x62: {  	_ =	shalt  }
0x63: {  	_ =	shalt  }
0x64: {  	_ =	shalt  }
0x65: {  	_ =	shalt  }
0x66: {  	_ =	shalt  }
0x67: {  	_ =	shalt  }
0x68: {  	_ =	shalt  }
0x69: {  	_ =	shalt  }
0x6a: {  	_ =	shalt  }
0x6b: {  	_ =	shalt  }
0x6c: {  	_ =	shalt  }
0x6d: {  	_ =	shalt  }
0x6e: {  	_ =	shalt  }
0x6f: {  	_ =	shalt  }
0x70: {  	_ =	shalt  }
0x71: {  	_ =	shalt  }
0x72: {  	_ =	shalt  }
0x73: {  	_ =	shalt  }
0x74: {  	_ =	shalt  }
0x75: {  	_ =	shalt  }
0x76: {  	_ =	shalt  }
0x77: {  	_ =	shalt  }
0x78: {  	_ =	shalt  }
0x79: {  	_ =	shalt  }
0x7a: {  	_ =	shalt  }
0x7b: {  	_ =	shalt  }
0x7c: {  	_ =	shalt  }
0x7d: {  	_ =	shalt  }
0x7e: {  	_ =	shalt  }
0x7f: {  	_ =	shalt  }
0x80: {  	_ =	shalt  }
0x81: {  	_ =	shalt  }
0x82: {  	_ =	shalt  }
0x83: {  	_ =	shalt  }
0x84: {  	_ =	shalt  }
0x85: {  	_ =	shalt  }
0x86: {  	_ =	shalt  }
0x87: {  	_ =	shalt  }
.Lfunc_end0:
.L_simem_size_0:
called_computation_lowered:
.L_overlay_start_0:
0x88: {  	s0 =	sld [smem:$0x3FD9]  }
0x89: {  	s1 =	sld [smem:$0x3FFE];
	_ =	sdelay $0x3  }
0x8a: {  	s0 =	sadd.s32 s1, s0  }
0x8b: {  	[smem:$0x3FC3] =	sst s0  }
0x8c: {  	_ = 	snop  }
0x8d: {  	s0 =	sld [smem:$0x3FC9]  }
0x8e: {  	s17 =	sld [smem:$0x3FC8]  }
0x8f: {  	s2 =	sld [smem:$0x3FC7]  }
0x90: {  	s3 =	sld [smem:$0x3FC6]  }
0x91: {  	s4 =	sld [smem:$0x3FC5]  }
0x92: {  	s5 =	sld [smem:$0x3FD0];
	(tm) =	ssettm $0x1  }
0x93: {  	s6 =	sld [smem:$0x3FFB];
	_ =	sdelay $0x3  }
0x94: {  	_ =	strace s6  }
0x95: {  	s6 =	sld [smem:$0x3FFC];
	_ =	sdelay $0x3  }
0x96: {  	_ =	strace s6  }
0x97: {  	s6 =	sld [smem:$0x3FFD];
	_ =	sdelay $0x3  }
0x98: {  	_ =	strace s6  }
0x99: {  	_ =	strace $0x8FFFFFFF  }
0x9a: {  	s18 =	sld [smem:$0x3FDB];
	_ =	sdelay $0x1  }
0x9b: {  	s7 =	simm.s32 $_scs_section_size  }
0x9c: {  	s8 =	simm.s32 $_size__tile_overlayer_lowered;
	s9 =	simm.s32 $_tile_overlayer_lowered  }
0x9d: {  	s21 =	simm.s32 $0x1BFF;
	s20 =	sshll.u32 s9, $0x1;
	s6 =	sadd.s32 s7, s18  }
0x9e: {  	s10 =	simm.s32 $0x0;
	s19 =	sshll.u32 s8, $0x1;
	s8 =	sadd.s32 s20, s6  }
0x9f: {  	[timem:s10], [sflag:s21] =	dma.local [hbm:s8], s19  }
0xa0: {  	_ =	swait.ge [sflag:s21], s19  }
0xa1: {  	s7 =	ssub.s32 $0x0, s19;
	[sflag:s21] =	ssyncset.done $0x0  }
0xa2: {  	[sflag:s21] =	ssyncadd.s32 s7;
	_ =	sdelay $0x1  }
0xa3: {  	s22 =	simm.s32 $0x1B8B  }
0xa4: {  	_ =	swait.ge [sflag:s22], $0x1  }
0xa5: {  	[sflag:s22] =	ssyncset.done $0x0  }
0xa6: {  	s23 =	simm.s32 $0x1B8E;
	[sflag:s22] =	ssyncadd.s32 $0xFFFFFFFF  }
0xa7: {  	s24 =	simm.s32 $execute0_lowered;
	[smem:$0x3FD2] =	sst s23  }
0xa8: {  	s7 =	sshll.u32 s24, $0x1;
	_ =	strace $0x80000046;
	[dreg:$0x1] =	wrdreg $0xFFFFFFFF  }
0xa9: {  	s25 =	simm.s32 $_size_execute0_lowered;
	s6 =	sadd.s32 s6, s7;
	[dreg:$0x0] =	wrdreg $0x0  }
0xaa: {  	s7 =	sshll.u32 s25, $0x1;
	[dreg:$0x2] =	wrdreg s6  }
0xab: {  	[dreg:$0x3] =	wrdreg s7  }
0xac: {  	[dreg:$0x4] =	wrdreg $0xC0  }
0xad: {  	_ =	task [dreg:s10], $0x5FFFF  }
0xae: {  	[dreg:$0x1] =	wrdreg $0xFFFFFFFF  }
0xaf: {  	[dreg:$0x0] =	wrdreg $0x60  }
0xb0: {  	[dreg:$0x2] =	wrdreg s0  }
0xb1: {  	[dreg:$0x3] =	wrdreg s17  }
0xb2: {  	[dreg:$0x4] =	wrdreg s2  }
0xb3: {  	[dreg:$0x5] =	wrdreg s3  }
0xb4: {  	[dreg:$0x6] =	wrdreg s4  }
0xb5: {  	[dreg:$0x7] =	wrdreg s5  }
0xb6: {  	[dreg:$0x8] =	wrdreg $0xDE000  }
0xb7: {  	[dreg:$0x9] =	wrdreg $0x9  }
0xb8: {  	_ =	task.clear_ibuf [dreg:s10], $0xAFFFF;
	_ =	strace $0x90000046  }
0xb9: {  	s26 =	simm.s32 $0x9;
	_ =	strace $0x80000048  }
0xba: {  	_ =	swait.ge [sflag:s26], $0x1  }
0xbb: {  	[sflag:s26] =	ssyncadd.s32 $0xFFFFFFFF  }
0xbc: {  	_ =	strace $0x90000048  }
0xbd: {  	_ =	sfence  }
0xbe: {  	s28 =	sld [smem:$0x0];
	_ =	sdelay $0x1  }
0xbf: {  	s29 =	srdreg.scid  }
0xc0: {  	s30 =	sshll.u32 s29, $0xD;
	s31 =	sshrl.u32 s29, $0x2  }
0xc1: {  	s1 =	sand.u32 $0x1, s29;
	s2 =	sand.u32 $0x4000, s30;
	s0 =	sadd.s32 s31, s28  }
0xc2: {  	s1 =	sor.u32 s2, s1;
	s0 =	sshll.u32 s0, $0x11  }
0xc3: {  	s0 =	sor.u32 s0, s1  }
0xc4: {  	s0 =	sadd.s32 $0x8F2B, s0  }
0xc5: {  	[sflag:s0] =	ssyncadd.remote.s32 $0x1  }
0xc6: {  	_ =	sfence.sel $0xFFFF  }
0xc7: {  	[dreg:$0x0] =	wrdreg $0xFFFFFFFF;
	(pc) =	sbr.abs _section_cstart, $3  }
0xc8: {  	[dreg:$0x1] =	wrdreg $0xFFFFFFFF  }
0xc9: {  	_ =	task.clear_ibuf [dreg:s10], $0x2FFFF;
	_ =	strace $0x9FFFFFFF  }
0xca: {  	(tm) =	ssettm $0x7FFFFFFF  }
0xcb: {  	_ =	shalt  }
tec
execute0_lowered:
.L_overlay_start_1:
0x0: {  	(tag) =	ssettag $0x1  }
0x1: {  	s2 =	rddreg [dreg:$0x0]  }
0x2: {  	s6 =	rddreg [dreg:$0x1]  }
0x3: {  	s7 =	rddreg [dreg:$0x2]  }
0x4: {  	s5 =	rddreg [dreg:$0x3]  }
0x5: {  	s4 =	rddreg [dreg:$0x4]  }
0x6: {  	s1 =	rddreg [dreg:$0x5]  }
0x7: {  	s3 =	rddreg [dreg:$0x6];
	s8 =	simm.s32 $0x0  }
0x8: {  	v0 =	vimm.s32 $0x0;
	[smem:$0x7FF] =	sst s8  }
0x9: {  	s0 =	rddreg [dreg:$0x7];
	_ =	strace $0x80000047;
	[tilespmem:$0x30] =	vst v0  }
0xa: {  	[tilespmem:$0x50] =	vst v0  }
0xb: {  	[tilespmem:s8], [sflag:$0x2] =	stream.linear.gather [hbm4b:s2+s8], $0x32, $0x38;
	[tilespmem:$0xDFC0] =	vst v63  }
0xc: {  	s22 =	simm.s32 $0x40  }
0xd: {  	[tilespmem:s22], [sflag:$0x2] =	stream.linear.gather [hbm4b:s6+s8], $0x14, $0x38;
	[tilespmem:$0xDFC0] =	vst v63  }
0xe: {  	s23 =	simm.s32 $0x58;
	s24 =	simm.s32 $0x2  }
0xf: {  	[tilespmem:s23], [sflag:$0x2] =	stream.linear.gather [hbm4b:s7+s8], $0x1, $0x38;
	[tilespmem:$0xDFC0] =	vst v63  }
0x10: {  	_ =	swait.ge [sflag:s24], $0x32  }
0x11: {  	[sflag:s24] =	ssyncset.done $0x0  }
0x12: {  	s25 =	simm.s32 $0x0;
	[sflag:s24] =	ssyncadd.s32 $0xFFFFFFCE  }
0x13: {  	v1 =	vld [tilespmem:s25+$0x0];
	_ =	sdelay $0x1  }
0x14: {  	s2 =	stileid.u32  }
0x15: {  	v2 =	vlaneseq.u32;
	v0 =	vmov s2  }
0x16: {  	vm0 =	veq.s32 v0, v2  }
0x17: {  	v1 =	vnsel vm0, $0x0, v1  }
0x18: {  	(xrf0) =	vadd.scan.msk.s32 $0xffff, v1;
	_ =	sdelay $0x5  }
0x19: {  	v1, _, _ =	vpop (xrf0)  }
0x1a: {  	(v2sf) =	vpush v1, $0xF;
	_ =	sdelay $0xe  }
0x1b: {  	s26 =	spop (v2sf)  }
0x1c: {  	s28 =	sand.u32 $0x7F, s26  }
0x1d: {  	s29 =	sshra.s32 s26, $0x1F;
	p0 =	slt.s32 s26, $0x1;
	p1 =	sne.s32 s28, $0x0  }
0x1e: {  	s30 =	sshrl.u32 s29, $0x19;
	p0 =	por !p0, !p1  }
0x1f: {  	s8 =	simm.s32 $0x1;
	s6 =	sadd.s32 s30, s26;
	p0 =	por !p0, !p0  }
0x20: {  	s6 =	sshrl.u32 s6, $0x7;
	s8 =	simm.s32 @!p0 $0x0  }
0x21: {  	s31 =	ssub.s32 s6, s8  }
0x22: {  	s7 =	simm.s32 $0x7A1400;
	s8 =	sshll.u32 s31, $0x7  }
0x23: {  	s10 =	simm.s32 $0x80;
	s6 =	simm.s32 $0x400;
	s9 =	sand.u32 $0x1FFFFF80, s8  }
0x24: {  	s8 =	simm.s32 $0x40;
	s11 =	sadd.s32 s5, s9;
	s9 =	simm.s32 $0x2080  }
.LBB2_1:
0x25: {  	[tilespmem:s10], [sflag:$0x1] =	stream.strided.gather [hbm4b:s11+s6], $0x2000, s7, s6, $0x38;
	[tilespmem:$0xDFC0] =	vst v63  }
0x26: {  	s10 =	sshra.s32 s8, $0x2;
	p0 =	sne.s32 s8, $0x80;
	s8 =	sadd.s32 $0x40, s8  }
0x27: {  	v1 =	vld [tilespmem:s10+$0x0];
	s10 =	smov.u32 s9;
	_ =	sdelay $0x4  }
0x28: {  	v1 =	vnsel vm0, $0x0, v1  }
0x29: {  	(xrf0) =	vadd.scan.msk.s32 $0xffff, v1;
	_ =	sdelay $0x5  }
0x2a: {  	v1, _, _ =	vpop (xrf0)  }
0x2b: {  	(v2sf) =	vpush v1, $0xF;
	_ =	sdelay $0xe  }
0x2c: {  	s11 =	spop (v2sf)  }
0x2d: {  	s12 =	sshra.s32 s11, $0x1F;
	s13 =	sand.u32 $0x7F, s11  }
0x2e: {  	p1 =	slt.s32 s11, $0x1;
	s12 =	sshrl.u32 s12, $0x19;
	p2 =	sne.s32 s13, $0x0  }
0x2f: {  	s11 =	sadd.s32 s12, s11;
	p1 =	por !p1, !p2  }
0x30: {  	s12 =	simm.s32 $0x1;
	p1 =	por !p1, !p1  }
.Ltmp0:
0x31: {  	s11 =	sshrl.u32 s11, $0x7;
	s12 =	simm.s32 @!p1 $0x0;
	(pc) =	sbr.rel @p0 .LBB2_1-.Ltmp0, $4  }
0x32: {  	s11 =	ssub.s32 s11, s12  }
0x33: {  	s11 =	sshll.u32 s11, $0x7  }
0x34: {  	s11 =	sand.u32 $0x1FFFFF80, s11  }
0x35: {  	s9 =	sadd.s32 $0x2000, s9;
	s11 =	sadd.s32 s5, s11  }
0x36: {  	[tilespmem:s10], [sflag:$0x1] =	stream.strided.gather [hbm4b:s11+s6], $0x2000, s7, s6, $0x38;
	[tilespmem:$0xDFC0] =	vst v63  }
0x37: {  	p0 =	sgt.u32 s2, $0x1  }
0x38: {  	v1 =	vld @!p0 [tilespmem:$0x30];
	_ =	sdelay $0x2  }
0x39: {  	v2 =	vlaneseq.u32 @!p0  }
0x3a: {  	vm0 =	veq.s32 @!p0 v0, v2  }
0x3b: {  	v1 =	vnsel @!p0 vm0, $0x0, v1  }
0x3c: {  	(xrf0) =	vadd.scan.msk.s32 @!p0 $0xffff, v1;
	_ =	sdelay $0x5  }
0x3d: {  	v1, _, _ =	vpop @!p0 (xrf0)  }
0x3e: {  	(v2sf) =	vpush @!p0 v1, $0xF;
	_ =	sdelay $0xe  }
0x3f: {  	s6 =	spop @!p0 (v2sf)  }
0x40: {  	s7 =	sand.u32 @!p0 $0x7F, s6  }
0x41: {  	p1 =	slt.s32 @!p0 s6, $0x1;
	p2 =	sne.s32 @!p0 s7, $0x0  }
0x42: {  	s7 =	sshra.s32 @!p0 s6, $0x1F;
	p1 =	por @!p0 !p1, !p2  }
0x43: {  	s7 =	sshrl.u32 @!p0 s7, $0x19;
	p1 =	por @!p0 !p1, !p1  }
0x44: {  	s6 =	sadd.s32 @!p0 s7, s6;
	s7 =	simm.s32 @!p0 $0x1;
	p1 =	por !p1, p0  }
0x45: {  	s6 =	sshrl.u32 @!p0 s6, $0x7;
	s7 =	simm.s32 @p1 $0x0  }
0x46: {  	s6 =	ssub.s32 @!p0 s6, s7  }
0x47: {  	s6 =	sshll.u32 @!p0 s6, $0x7  }
0x48: {  	s25 =	simm.s32 $0x2;
	s8 =	simm.s32 @!p0 $0x6080;
	s6 =	sand.u32 @!p0 $0x1FFFFF80, s6  }
0x49: {  	s7 =	simm.s32 @!p0 $0x7A1400;
	s5 =	sadd.s32 @!p0 s5, s6;
	s6 =	simm.s32 @!p0 $0x400  }
0x4a: {  	[tilespmem:s8], [sflag:$0x1] =	stream.strided.gather @!p0 [hbm4b:s5+s6], $0x2000, s7, s6, $0x38;
	[tilespmem:$0xDFC0] =	vst v63  }
0x4b: {  	_ =	swait.ge [sflag:s25], $0x14  }
0x4c: {  	[sflag:s25] =	ssyncset.done $0x0  }
0x4d: {  	[sflag:s25] =	ssyncadd.s32 $0xFFFFFFEC  }
0x4e: {  	_ =	swait.ge [sflag:s25], $0x1  }
0x4f: {  	[sflag:s25] =	ssyncset.done $0x0  }
0x50: {  	[sflag:s25] =	ssyncadd.s32 $0xFFFFFFFF  }
0x51: {  	v1 =	vld [tilespmem:$0x40];
	_ =	sdelay $0x2  }
0x52: {  	v2 =	vlaneseq.u32  }
0x53: {  	vm0 =	veq.s32 v0, v2  }
0x54: {  	v1 =	vnsel vm0, $0x0, v1  }
0x55: {  	(xrf0) =	vadd.scan.msk.s32 $0xffff, v1;
	_ =	sdelay $0x5  }
0x56: {  	v1, _, _ =	vpop (xrf0)  }
0x57: {  	(v2sf) =	vpush v1, $0xF;
	_ =	sdelay $0xe  }
0x58: {  	s26 =	spop (v2sf)  }
0x59: {  	s28 =	sand.u32 $0x7F, s26  }
0x5a: {  	p5 =	slt.s32 s26, $0x1;
	p6 =	sne.s32 s28, $0x0  }
0x5b: {  	s29 =	sshra.s32 s26, $0x1F;
	p1 =	por !p5, !p6  }
0x5c: {  	s6 =	simm.s32 $0x1;
	s30 =	sshrl.u32 s29, $0x19;
	p1 =	por !p1, !p1  }
0x5d: {  	s5 =	sadd.s32 s30, s26;
	s6 =	simm.s32 @!p1 $0x0;
	p1 =	slt.u32 s2, $0x4  }
0x5e: {  	s5 =	sshrl.u32 s5, $0x7;
	p2 =	sne.s32 @!p1 s2, $0x8  }
0x5f: {  	s5 =	ssub.s32 s5, s6;
	p2 =	por p1, !p2  }
.Ltmp1:
0x60: {  	s5 =	sshll.u32 s5, $0x7;
	(pc) =	sbr.rel @!p2 .LBB2_4-.Ltmp1, $4  }
0x61: {  	s9 =	simm.s32 $0x7A1400;
	s5 =	sand.u32 $0x1FFFFF80, s5  }
0x62: {  	s31 =	simm.s32 $0x8080;
	s8 =	simm.s32 $0x400;
	s5 =	sadd.s32 s4, s5  }
0x63: {  	[tilespmem:s31], [sflag:$0x1] =	stream.strided.gather [hbm4b:s5+s8], $0x2000, s9, s8, $0x38;
	[tilespmem:$0xDFC0] =	vst v63  }
0x64: {  	s7 =	simm.s32 @!p0 $0x1;
	s6 =	simm.s32 $0x1;
	s5 =	sshll.u32 s2, $0x7  }
0x65: {  	v1 =	vld [tilespmem:$0x50];
	_ =	sdelay $0x4  }
0x66: {  	v1 =	vnsel vm0, $0x0, v1  }
0x67: {  	(xrf0) =	vadd.scan.msk.s32 $0xffff, v1;
	_ =	sdelay $0x5  }
0x68: {  	v1, _, _ =	vpop (xrf0)  }
0x69: {  	(v2sf) =	vpush v1, $0xF;
	_ =	sdelay $0xe  }
0x6a: {  	s10 =	spop (v2sf)  }
0x6b: {  	s11 =	sand.u32 $0x7F, s10  }
0x6c: {  	s30 =	sshra.s32 s10, $0x1F;
	p4 =	slt.s32 s10, $0x1;
	p3 =	sne.s32 s11, $0x0  }
0x6d: {  	s11 =	sshrl.u32 s30, $0x19;
	p3 =	por !p4, !p3  }
0x6e: {  	s10 =	sadd.s32 s11, s10;
	s11 =	simm.s32 $0x1;
	p3 =	por !p3, !p3  }
0x6f: {  	s10 =	sshrl.u32 s10, $0x7;
	s11 =	simm.s32 @!p3 $0x0  }
0x70: {  	s10 =	ssub.s32 s10, s11  }
0x71: {  	s10 =	sshll.u32 s10, $0x7  }
0x72: {  	s10 =	sand.u32 $0x1FFFFF80, s10  }
0x73: {  	s31 =	simm.s32 $0xA080;
	s4 =	sadd.s32 s4, s10  }
0x74: {  	[tilespmem:s31], [sflag:$0x1] =	stream.strided.gather [hbm4b:s4+s8], $0x2000, s9, s8, $0x38;
	[tilespmem:$0xDFC0] =	vst v63  }
.LBB2_4:
0x75: {  	_ =	swait.ge [sflag:s6], $0x2000  }
0x76: {  	[sflag:s6] =	ssyncset.done $0x0  }
0x77: {  	[sflag:s6] =	ssyncadd.s32 $0xFFFFE000  }
0x78: {  	_ =	swait.ge [sflag:s6], $0x2000  }
0x79: {  	[sflag:s6] =	ssyncset.done $0x0  }
0x7a: {  	[sflag:s6] =	ssyncadd.s32 $0xFFFFE000  }
0x7b: {  	_ =	swait.ge [sflag:s6], $0x2000  }
0x7c: {  	[sflag:s6] =	ssyncset.done $0x0  }
0x7d: {  	[sflag:s6] =	ssyncadd.s32 $0xFFFFE000  }
0x7e: {  	_ =	swait.ge @!p0 [sflag:s7], $0x2000  }
0x7f: {  	[sflag:s7] =	ssyncset.done @!p0 $0x0  }
0x80: {  	[sflag:s7] =	ssyncadd.s32 @!p0 $0xFFFFE000  }
0x81: {  	_ =	swait.ge [sflag:s6], $0x2000  }
0x82: {  	[sflag:s6] =	ssyncset.done $0x0  }
0x83: {  	s4 =	sadd.s32 s5, s3;
	s5 =	simm.s32 @p2 $0x1;
	[sflag:s6] =	ssyncadd.s32 $0xFFFFE000  }
0x84: {  	_ =	swait.ge @p2 [sflag:s5], $0x2000  }
0x85: {  	[sflag:s5] =	ssyncset.done @p2 $0x0  }
0x86: {  	v1 =	vimm.f32 $0.0e+00;
	[sflag:s5] =	ssyncadd.s32 @p2 $0xFFFFE000  }
0x87: {  	[tilespmem:$0xDC80] =	vst v1  }
0x88: {  	[tilespmem:$0xDC90] =	vst v1  }
0x89: {  	[tilespmem:$0xDCA0] =	vst v1  }
0x8a: {  	s26 =	simm.s32 $0x0;
	[tilespmem:$0xDCB0] =	vst v1  }
0x8b: {  	v2 =	vld [tilespmem:s26+$0x0];
	_ =	sdelay $0x2  }
0x8c: {  	v3 =	vlaneseq.u32  }
0x8d: {  	vm0 =	veq.s32 v0, v3  }
0x8e: {  	v2 =	vnsel vm0, $0x0, v2  }
0x8f: {  	(xrf0) =	vadd.scan.msk.s32 $0xffff, v2;
	_ =	sdelay $0x5  }
0x90: {  	v2, _, _ =	vpop (xrf0)  }
0x91: {  	(v2sf) =	vpush v2, $0xF;
	_ =	sdelay $0xe  }
0x92: {  	s28 =	spop (v2sf)  }
0x93: {  	s29 =	sand.u32 $0x7F, s28  }
0x94: {  	s30 =	sshra.s32 s28, $0x1F;
	p6 =	slt.s32 s28, $0x1;
	p3 =	sne.s32 s29, $0x0  }
0x95: {  	s31 =	sshrl.u32 s30, $0x19;
	p2 =	por !p6, !p3  }
0x96: {  	s7 =	simm.s32 $0x1;
	s6 =	sadd.s32 s31, s28;
	p2 =	por !p2, !p2  }
0x97: {  	s6 =	sshrl.u32 s6, $0x7;
	s7 =	simm.s32 @!p2 $0x0  }
0x98: {  	s6 =	ssub.s32 s7, s6  }
0x99: {  	v5 =	vmul.u32 $0x80, v3;
	s6 =	sshll.u32 s6, $0x7  }
0x9a: {  	s5 =	sadd.s32 s28, s6  }
0x9b: {  	v6 =	vor.u32 $0x800, v5;
	v2 =	vadd.s32 s5, v5  }
0x9c: {  	v3 =	vadd.s32 s5, v6  }
0x9d: {  	v7 =	vor.u32 $0x1000, v5  }
0x9e: {  	v8 =	vor.u32 $0x1800, v5;
	v4 =	vadd.s32 s5, v7  }
0x9f: {  	s7 =	simm.s32 $0x80;
	v9 =	vadd.s32 s5, v8  }
0xa0: {  	v2 =	vld.idx.msk [tilespmem:v2+s7+$0x0], $0xffff  }
0xa1: {  	v3 =	vld.idx.msk [tilespmem:v3+s7+$0x0], $0xffff;
	_ =	sdelay $0x1  }
0xa2: {  	v10 =	vld.idx.msk [tilespmem:v4+s7+$0x0], $0xffff  }
0xa3: {  	v9 =	vld.idx.msk [tilespmem:v9+s7+$0x0], $0xffff  }
0xa4: {  	s3 =	sadd.s32 $0x2000, s3;
	s8 =	simm.s32 $0x40  }
0xa5: {  	s6 =	sadd.s32 $0x3000, s4;
	s5 =	sadd.s32 $0x2000, s4;
	s4 =	sadd.s32 $0x2800, s4;
	v4 =	vimm.f32 $0.0e+00;
	v2 =	vadd.f32 v1, v2;
	v3 =	vadd.f32 v1, v3  }
.LBB2_5:
0xa6: {  	p2 =	sne.s32 s8, $0x80  }
0xa7: {  	[tilespmem:$0xDC80] =	vst v2;
	v1 =	vadd.f32 v1, v10;
	s7 =	sadd.s32 $0x2000, s7;
	s9 =	smov.u32 s8;
	s8 =	sadd.s32 $0x40, s8  }
0xa8: {  	v4 =	vadd.f32 v4, v9;
	[tilespmem:$0xDC90] =	vst v3  }
0xa9: {  	[tilespmem:$0xDCA0] =	vst v1  }
0xaa: {  	s9 =	sshra.s32 s9, $0x2;
	[tilespmem:$0xDCB0] =	vst v4  }
0xab: {  	v9 =	vld [tilespmem:s9+$0x0];
	_ =	sdelay $0x4  }
0xac: {  	v9 =	vnsel vm0, $0x0, v9  }
0xad: {  	(xrf0) =	vadd.scan.msk.s32 $0xffff, v9;
	_ =	sdelay $0x5  }
0xae: {  	v9, _, _ =	vpop (xrf0)  }
0xaf: {  	(v2sf) =	vpush v9, $0xF;
	_ =	sdelay $0xe  }
0xb0: {  	s9 =	spop (v2sf)  }
0xb1: {  	s10 =	sshra.s32 s9, $0x1F;
	s11 =	sand.u32 $0x7F, s9  }
0xb2: {  	p3 =	slt.s32 s9, $0x1;
	s10 =	sshrl.u32 s10, $0x19;
	p4 =	sne.s32 s11, $0x0  }
0xb3: {  	s10 =	sadd.s32 s10, s9;
	p3 =	por !p3, !p4  }
0xb4: {  	s11 =	simm.s32 $0x1;
	p3 =	por !p3, !p3  }
0xb5: {  	s10 =	sshrl.u32 s10, $0x7;
	s11 =	simm.s32 @!p3 $0x0  }
0xb6: {  	s10 =	ssub.s32 s11, s10  }
0xb7: {  	s10 =	sshll.u32 s10, $0x7  }
0xb8: {  	s9 =	sadd.s32 s9, s10  }
0xb9: {  	v9 =	vadd.s32 s9, v5;
	v10 =	vadd.s32 s9, v6;
	v11 =	vadd.s32 s9, v7  }
0xba: {  	v12 =	vadd.s32 s9, v8;
	_ =	sdelay $0x3  }
0xbb: {  	v13 =	vld.idx.msk [tilespmem:v9+s7+$0x0], $0xffff  }
0xbc: {  	v14 =	vld.idx.msk [tilespmem:v10+s7+$0x0], $0xffff  }
0xbd: {  	v10 =	vld.idx.msk [tilespmem:v11+s7+$0x0], $0xffff  }
.Ltmp2:
0xbe: {  	v9 =	vld.idx.msk [tilespmem:v12+s7+$0x0], $0xffff;
	(pc) =	sbr.rel @p2 .LBB2_5-.Ltmp2, $3  }
0xbf: {  	_ =	sdelay $0x1  }
0xc0: {  	v2 =	vadd.f32 v2, v13  }
0xc1: {  	v3 =	vadd.f32 v3, v14  }
0xc2: {  	v5 =	vld @!p0 [tilespmem:$0x30];
	_ =	sdelay $0x2  }
0xc3: {  	v6 =	vlaneseq.u32 @!p0  }
0xc4: {  	vm0 =	veq.s32 @!p0 v0, v6  }
0xc5: {  	v5 =	vnsel @!p0 vm0, $0x0, v5  }
0xc6: {  	(xrf0) =	vadd.scan.msk.s32 @!p0 $0xffff, v5;
	_ =	sdelay $0x5  }
0xc7: {  	v5, _, _ =	vpop @!p0 (xrf0)  }
0xc8: {  	(v2sf) =	vpush @!p0 v5, $0xF;
	_ =	sdelay $0xe  }
0xc9: {  	s7 =	spop @!p0 (v2sf)  }
0xca: {  	s8 =	sand.u32 @!p0 $0x7F, s7  }
0xcb: {  	p2 =	slt.s32 @!p0 s7, $0x1;
	p3 =	sne.s32 @!p0 s8, $0x0  }
0xcc: {  	s8 =	sshra.s32 @!p0 s7, $0x1F;
	p2 =	por @!p0 !p2, !p3  }
0xcd: {  	s8 =	sshrl.u32 @!p0 s8, $0x19;
	p2 =	por @!p0 !p2, !p2  }
0xce: {  	s9 =	simm.s32 @!p0 $0x1;
	s8 =	sadd.s32 @!p0 s8, s7;
	p2 =	por !p2, p0  }
0xcf: {  	s8 =	sshrl.u32 @!p0 s8, $0x7;
	s9 =	simm.s32 @p2 $0x0  }
0xd0: {  	s8 =	ssub.s32 @!p0 s9, s8  }
0xd1: {  	v5 =	vmul.u32 @!p0 $0x80, v6;
	s8 =	sshll.u32 @!p0 s8, $0x7  }
0xd2: {  	s7 =	sadd.s32 @!p0 s7, s8  }
0xd3: {  	v7 =	vor.u32 @!p0 $0x800, v5;
	v6 =	vadd.s32 @!p0 s7, v5  }
0xd4: {  	[tilespmem:$0xDC80] =	vst v2;
	v1 =	vadd.f32 v1, v10;
	v8 =	vor.u32 @!p0 $0x1000, v5;
	v7 =	vadd.s32 @!p0 s7, v7  }
0xd5: {  	v4 =	vadd.f32 v4, v9;
	[tilespmem:$0xDC90] =	vst v3;
	v8 =	vadd.s32 @!p0 s7, v8;
	v5 =	vor.u32 @!p0 $0x1800, v5  }
0xd6: {  	[tilespmem:$0xDCA0] =	vst v1;
	v5 =	vadd.s32 @!p0 s7, v5  }
0xd7: {  	[tilespmem:$0xDCB0] =	vst v4;
	s7 =	simm.s32 @!p0 $0x6080  }
0xd8: {  	v6 =	vld.idx.msk @!p0 [tilespmem:v6+s7+$0x0], $0xffff  }
0xd9: {  	v7 =	vld.idx.msk @!p0 [tilespmem:v7+s7+$0x0], $0xffff  }
0xda: {  	v8 =	vld.idx.msk @!p0 [tilespmem:v8+s7+$0x0], $0xffff  }
0xdb: {  	v5 =	vld.idx.msk @!p0 [tilespmem:v5+s7+$0x0], $0xffff;
	_ =	sdelay $0x1  }
0xdc: {  	v2 =	vadd.f32 @!p0 v2, v6  }
0xdd: {  	v3 =	vadd.f32 @!p0 v3, v7  }
0xde: {  	v1 =	vadd.f32 @!p0 v1, v8;
	[tilespmem:$0xDC80] =	vst @!p0 v2  }
0xdf: {  	[tilespmem:$0xDC90] =	vst @!p0 v3;
	v2 =	vadd.f32 @!p0 v4, v5  }
0xe0: {  	[tilespmem:$0xDCA0] =	vst @!p0 v1  }
0xe1: {  	s24 =	simm.s32 $0xDC80;
	[tilespmem:$0xDCB0] =	vst @!p0 v2  }
0xe2: {  	[spmem:s6] =	stream.linear.scatter [tilespmem:s24], [sflag:$0x2], $0x80, $0x38;
	[tilespmem:$0xDFC0] =	vst v63  }
0xe3: {  	v1 =	vld [tilespmem:$0x40];
	_ =	sdelay $0x2  }
0xe4: {  	v2 =	vlaneseq.u32  }
0xe5: {  	vm0 =	veq.s32 v0, v2  }
0xe6: {  	v0 =	vnsel vm0, $0x0, v1  }
0xe7: {  	(xrf0) =	vadd.scan.msk.s32 $0xffff, v0;
	_ =	sdelay $0x5  }
0xe8: {  	v0, _, _ =	vpop (xrf0)  }
0xe9: {  	(v2sf) =	vpush v0, $0xF;
	_ =	sdelay $0xe  }
0xea: {  	s25 =	spop (v2sf)  }
0xeb: {  	s26 =	sand.u32 $0x7F, s25  }
0xec: {  	s28 =	sshra.s32 s25, $0x1F;
	p5 =	slt.s32 s25, $0x1;
	p6 =	sne.s32 s26, $0x0  }
0xed: {  	s29 =	sshrl.u32 s28, $0x19;
	p0 =	por !p5, !p6  }
0xee: {  	s8 =	simm.s32 $0x1;
	s7 =	sadd.s32 s29, s25;
	p0 =	por !p0, !p0  }
0xef: {  	s7 =	sshrl.u32 s7, $0x7;
	s8 =	simm.s32 @!p0 $0x0  }
0xf0: {  	s7 =	ssub.s32 s8, s7  }
0xf1: {  	v0 =	vmul.u32 $0x80, v2;
	s7 =	sshll.u32 s7, $0x7  }
0xf2: {  	s6 =	sadd.s32 s25, s7  }
0xf3: {  	v1 =	vor.u32 $0x800, v0;
	v4 =	vadd.s32 s6, v0  }
0xf4: {  	v2 =	vor.u32 $0x1000, v0;
	v5 =	vadd.s32 s6, v1  }
0xf5: {  	v3 =	vor.u32 $0x1800, v0;
	v62 =	vadd.s32 s6, v2  }
0xf6: {  	v63 =	vadd.s32 s6, v3  }
0xf7: {  	s30 =	simm.s32 $0x8080  }
0xf8: {  	v4 =	vld.idx.msk [tilespmem:v4+s30+$0x0], $0xffff  }
0xf9: {  	v5 =	vld.idx.msk [tilespmem:v5+s30+$0x0], $0xffff  }
0xfa: {  	v6 =	vld.idx.msk [tilespmem:v62+s30+$0x0], $0xffff  }
0xfb: {  	v7 =	vld.idx.msk [tilespmem:v63+s30+$0x0], $0xffff  }
0xfc: {  	p0 =	seq.s32 @!p1 s2, $0x8  }
0xfd: {  	p1 =	por p1, p0;
	[tilespmem:$0xC280] =	vst v4  }
.Ltmp3:
0xfe: {  	[tilespmem:$0xC290] =	vst v5;
	(pc) =	sbr.rel @!p1 .LBB2_7-.Ltmp3, $4  }
0xff: {  	[tilespmem:$0xC2A0] =	vst v6  }
0x100: {  	s31 =	simm.s32 $0xC280;
	[tilespmem:$0xC2B0] =	vst v7  }
0x101: {  	[spmem:s5] =	stream.linear.scatter [tilespmem:s31], [sflag:$0x2], $0x80, $0x38;
	[tilespmem:$0xDFC0] =	vst v63  }
0x102: {  	p0 =	sne.s32 s2, $0x0;
	s5 =	simm.s32 $0x1  }
0x103: {  	v4 =	vld [tilespmem:$0x50];
	_ =	sdelay $0x4  }
0x104: {  	v4 =	vnsel vm0, $0x0, v4  }
0x105: {  	(xrf0) =	vadd.scan.msk.s32 $0xffff, v4;
	_ =	sdelay $0x5  }
0x106: {  	v4, _, _ =	vpop (xrf0)  }
0x107: {  	(v2sf) =	vpush v4, $0xF;
	_ =	sdelay $0xe  }
0x108: {  	s2 =	spop (v2sf)  }
0x109: {  	s6 =	sand.u32 $0x7F, s2  }
0x10a: {  	s7 =	sshra.s32 s2, $0x1F;
	p1 =	slt.s32 s2, $0x1;
	p2 =	sne.s32 s6, $0x0  }
0x10b: {  	s28 =	sshrl.u32 s7, $0x19;
	p1 =	por !p1, !p2  }
0x10c: {  	s6 =	sadd.s32 s28, s2;
	p1 =	por !p1, !p1  }
0x10d: {  	s6 =	sshrl.u32 s6, $0x7;
	s5 =	simm.s32 @!p1 $0x0  }
0x10e: {  	s5 =	ssub.s32 s5, s6  }
0x10f: {  	s5 =	sshll.u32 s5, $0x7  }
0x110: {  	s2 =	sadd.s32 s2, s5  }
0x111: {  	v0 =	vadd.s32 s2, v0  }
0x112: {  	v1 =	vadd.s32 s2, v1  }
0x113: {  	v2 =	vadd.s32 s2, v2  }
0x114: {  	v3 =	vadd.s32 s2, v3  }
0x115: {  	s29 =	simm.s32 $0xA080  }
0x116: {  	v0 =	vld.idx.msk [tilespmem:v0+s29+$0x0], $0xffff  }
0x117: {  	v1 =	vld.idx.msk [tilespmem:v1+s29+$0x0], $0xffff  }
0x118: {  	v2 =	vld.idx.msk [tilespmem:v2+s29+$0x0], $0xffff  }
0x119: {  	v3 =	vld.idx.msk [tilespmem:v3+s29+$0x0], $0xffff;
	_ =	sdelay $0x1  }
0x11a: {  	[tilespmem:$0xC300] =	vst v0  }
0x11b: {  	[tilespmem:$0xC310] =	vst v1  }
0x11c: {  	[tilespmem:$0xC320] =	vst v2  }
0x11d: {  	s30 =	simm.s32 $0xC300;
	s31 =	simm.s32 $0x2;
	[tilespmem:$0xC330] =	vst v3  }
0x11e: {  	[spmem:s4] =	stream.linear.scatter [tilespmem:s30], [sflag:$0x2], $0x80, $0x38;
	[tilespmem:$0xDFC0] =	vst v63  }
0x11f: {  	_ =	swait.ge [sflag:s31], $0x80  }
0x120: {  	[sflag:s31] =	ssyncset.done $0x0  }
0x121: {  	[sflag:s31] =	ssyncadd.s32 $0xFFFFFF80  }
0x122: {  	_ =	swait.ge [sflag:s31], $0x80  }
0x123: {  	[sflag:s31] =	ssyncset.done $0x0  }
0x124: {  	[sflag:s31] =	ssyncadd.s32 $0xFFFFFF80  }
0x125: {  	_ =	swait.ge [sflag:s31], $0x80  }
0x126: {  	[sflag:s31] =	ssyncset.done $0x0  }
0x127: {  	[sflag:s31] =	ssyncadd.s32 $0xFFFFFF80  }
0x128: {  	[bflag:$0x0] =	sbarrier.arrive $0xFFFF  }
0x129: {  	_ =	sfence.sel @p0 $0x180000  }
0x12a: {  	[bflag:$0x0] =	sbarrier.arrive @p0 $0xFFFF  }
0x12b: {  	_ =	strace @p0 $0x90000047  }
0x12c: {  	[bflag:$0x2] =	sbarrier.arrive @p0 $0xFFFF  }
0x12d: {  	_ =	shalt @p0  }
.LBB2_9:
0x12e: {  	s2 =	simm.s32 $0xC480;
	s31 =	simm.s32 $0x3  }
0x12f: {  	[tilespmem:s2], [sflag:$0x3] =	stream.linear.gather [spmem:s3], $0x1800, $0x38;
	[tilespmem:$0xDFC0] =	vst v63  }
0x130: {  	_ =	swait.ge [sflag:s31], $0x1800  }
0x131: {  	[sflag:s31] =	ssyncset.done $0x0  }
0x132: {  	[sflag:s31] =	ssyncadd.s32 $0xFFFFE800  }
0x133: {  	v0 =	vld [tilespmem:$0xD480]  }
0x134: {  	v1 =	vld [tilespmem:$0xD490]  }
0x135: {  	v2 =	vld [tilespmem:$0xD4A0]  }
0x136: {  	v3 =	vld [tilespmem:$0xD4B0]  }
0x137: {  	v4 =	vld [tilespmem:$0xD500]  }
0x138: {  	v5 =	vld [tilespmem:$0xD510]  }
0x139: {  	v6 =	vld [tilespmem:$0xD520]  }
0x13a: {  	v7 =	vld [tilespmem:$0xD530]  }
0x13b: {  	v8 =	vld [tilespmem:$0xD580]  }
0x13c: {  	v9 =	vld [tilespmem:$0xD590]  }
0x13d: {  	v10 =	vld [tilespmem:$0xD5A0]  }
0x13e: {  	v11 =	vld [tilespmem:$0xD5B0]  }
0x13f: {  	v12 =	vld [tilespmem:$0xD600]  }
0x140: {  	v13 =	vld [tilespmem:$0xD610]  }
0x141: {  	v14 =	vld [tilespmem:$0xD620]  }
0x142: {  	v15 =	vld [tilespmem:$0xD630]  }
0x143: {  	v16 =	vld [tilespmem:$0xD680]  }
0x144: {  	v17 =	vld [tilespmem:$0xD690]  }
0x145: {  	v18 =	vld [tilespmem:$0xD6A0]  }
0x146: {  	v19 =	vld [tilespmem:$0xD6B0]  }
0x147: {  	v20 =	vld [tilespmem:$0xD700]  }
0x148: {  	v21 =	vld [tilespmem:$0xD710]  }
0x149: {  	v22 =	vld [tilespmem:$0xD720]  }
0x14a: {  	v23 =	vld [tilespmem:$0xD730]  }
0x14b: {  	v24 =	vld [tilespmem:$0xD780]  }
0x14c: {  	v25 =	vld [tilespmem:$0xD790]  }
0x14d: {  	v26 =	vld [tilespmem:$0xD7A0]  }
0x14e: {  	v27 =	vld [tilespmem:$0xD7B0]  }
0x14f: {  	v28 =	vld [tilespmem:$0xD800]  }
0x150: {  	v29 =	vld [tilespmem:$0xD810]  }
0x151: {  	v30 =	vld [tilespmem:$0xD820]  }
0x152: {  	v31 =	vld [tilespmem:$0xD830]  }
0x153: {  	v32 =	vld [tilespmem:$0xD880]  }
0x154: {  	v33 =	vld [tilespmem:$0xD890]  }
0x155: {  	v34 =	vld [tilespmem:$0xD8A0]  }
0x156: {  	v35 =	vld [tilespmem:$0xD8B0]  }
0x157: {  	v36 =	vld [tilespmem:$0xD900]  }
0x158: {  	v42 =	vld [tilespmem:$0xD930];
	v0 =	vadd.f32 v4, v0  }
0x159: {  	v43 =	vld [tilespmem:$0xD980];
	v1 =	vadd.f32 v5, v1  }
0x15a: {  	v44 =	vld [tilespmem:$0xD990];
	v2 =	vadd.f32 v6, v2;
	v0 =	vadd.f32 v8, v0  }
0x15b: {  	v45 =	vld [tilespmem:$0xD9A0];
	v3 =	vadd.f32 v7, v3;
	v1 =	vadd.f32 v9, v1  }
0x15c: {  	v46 =	vld [tilespmem:$0xD9B0];
	v2 =	vadd.f32 v10, v2;
	v0 =	vadd.f32 v12, v0  }
0x15d: {  	v47 =	vld [tilespmem:$0xDA00];
	v3 =	vadd.f32 v11, v3;
	v1 =	vadd.f32 v13, v1  }
0x15e: {  	v48 =	vld [tilespmem:$0xDA10];
	v2 =	vadd.f32 v14, v2;
	v0 =	vadd.f32 v16, v0  }
0x15f: {  	v49 =	vld [tilespmem:$0xDA20];
	v3 =	vadd.f32 v15, v3;
	v1 =	vadd.f32 v17, v1  }
0x160: {  	v50 =	vld [tilespmem:$0xDA30];
	v2 =	vadd.f32 v18, v2;
	v0 =	vadd.f32 v20, v0  }
0x161: {  	v51 =	vld [tilespmem:$0xDA80];
	v3 =	vadd.f32 v19, v3;
	v1 =	vadd.f32 v21, v1  }
0x162: {  	v52 =	vld [tilespmem:$0xDA90];
	v2 =	vadd.f32 v22, v2;
	v0 =	vadd.f32 v24, v0  }
0x163: {  	v53 =	vld [tilespmem:$0xDAA0];
	v3 =	vadd.f32 v23, v3;
	v1 =	vadd.f32 v25, v1  }
0x164: {  	v4 =	vld [tilespmem:$0xD910];
	v2 =	vadd.f32 v26, v2;
	v0 =	vadd.f32 v28, v0  }
0x165: {  	v5 =	vld [tilespmem:$0xD920];
	v3 =	vadd.f32 v27, v3;
	v1 =	vadd.f32 v29, v1  }
0x166: {  	v54 =	vld [tilespmem:$0xDAB0];
	v2 =	vadd.f32 v30, v2;
	v0 =	vadd.f32 v32, v0  }
0x167: {  	v55 =	vld [tilespmem:$0xDB00];
	v3 =	vadd.f32 v31, v3;
	v1 =	vadd.f32 v33, v1  }
0x168: {  	v56 =	vld [tilespmem:$0xDB10];
	v2 =	vadd.f32 v34, v2;
	v0 =	vadd.f32 v36, v0  }
0x169: {  	v57 =	vld [tilespmem:$0xDB80];
	v3 =	vadd.f32 v35, v3;
	v1 =	vadd.f32 v4, v1  }
0x16a: {  	v58 =	vld [tilespmem:$0xDB90];
	v2 =	vadd.f32 v5, v2;
	v0 =	vadd.f32 v43, v0  }
0x16b: {  	v59 =	vld [tilespmem:$0xDBA0];
	v3 =	vadd.f32 v42, v3;
	v1 =	vadd.f32 v44, v1  }
0x16c: {  	v60 =	vld [tilespmem:$0xDBB0];
	v2 =	vadd.f32 v45, v2;
	v0 =	vadd.f32 v47, v0  }
0x16d: {  	v4 =	vld [tilespmem:$0xDB20];
	v3 =	vadd.f32 v46, v3;
	v1 =	vadd.f32 v48, v1  }
0x16e: {  	v5 =	vld [tilespmem:$0xDB30];
	v2 =	vadd.f32 v49, v2;
	v0 =	vadd.f32 v51, v0  }
0x16f: {  	v61 =	vld [tilespmem:$0xDC00];
	v3 =	vadd.f32 v50, v3;
	v1 =	vadd.f32 v52, v1  }
0x170: {  	v62 =	vld [tilespmem:$0xDC10];
	v2 =	vadd.f32 v53, v2;
	v0 =	vadd.f32 v55, v0  }
0x171: {  	v63 =	vld [tilespmem:$0xDC20];
	v3 =	vadd.f32 v54, v3;
	v1 =	vadd.f32 v56, v1  }
0x172: {  	v2 =	vadd.f32 v4, v2;
	v4 =	vld [tilespmem:$0xDC30];
	v0 =	vadd.f32 v57, v0  }
0x173: {  	v3 =	vadd.f32 v5, v3;
	v5 =	vimm.f32 $0.0e+00;
	v1 =	vadd.f32 v58, v1  }
0x174: {  	[tilespmem:$0xDD00] =	vst v5;
	v2 =	vadd.f32 v59, v2;
	v0 =	vadd.f32 v61, v0  }
0x175: {  	[tilespmem:$0xDD10] =	vst v5;
	v3 =	vadd.f32 v60, v3;
	v1 =	vadd.f32 v62, v1  }
0x176: {  	v2 =	vadd.f32 v63, v2;
	[tilespmem:$0xDC80] =	vst v0  }
0x177: {  	v0 =	vadd.f32 v4, v3;
	[tilespmem:$0xDC90] =	vst v1  }
0x178: {  	[tilespmem:$0xDCA0] =	vst v2;
	v3 =	vld [tilespmem:$0xDC90]  }
0x179: {  	s4 =	simm.s32 $0xC4A0;
	[tilespmem:$0xDCB0] =	vst v0;
	v0 =	vld [tilespmem:$0xDC80]  }
0x17a: {  	v1 =	vld [tilespmem:s4+$0xFFFFFFE0]  }
0x17b: {  	s5 =	simm.s32 $0x1;
	s3 =	simm.s32 $0x0;
	s2 =	simm.s32 $0xDD00;
	v2 =	vld [tilespmem:s4+$0xFFFFFFF0]  }
.LBB2_10:
0x17c: {  	p1 =	sne.s32 s5, $0x13;
	v4 =	vld [tilespmem:s4+$0x0]  }
0x17d: {  	v5 =	vld [tilespmem:$0xDCA0]  }
0x17e: {  	v6 =	vld [tilespmem:s4+$0x10]  }
0x17f: {  	v7 =	vld [tilespmem:$0xDCB0]  }
0x180: {  	v0 =	vmul.f32 v0, v1;
	v1 =	vmul.f32 v3, v2;
	_ =	sdelay $0x1  }
0x181: {  	v0 =	vadd.f32 v1, v0;
	v1 =	vmul.f32 v5, v4;
	_ =	sdelay $0x1  }
0x182: {  	v0 =	vadd.f32 v1, v0;
	v1 =	vmul.f32 v7, v6;
	_ =	sdelay $0x1  }
0x183: {  	v0 =	vadd.f32 v1, v0;
	_ =	sdelay $0x1  }
0x184: {  	(xrf2) =	vadd.scan.msk.f32 $0xffff, v0;
	_ =	sdelay $0x9  }
0x185: {  	v0, _, _ =	vpop (xrf2)  }
0x186: {  	(v2sf) =	vpush v0, $0xF;
	_ =	sdelay $0xd  }
0x187: {  	v0 =	vmov s3;
	s3 =	smov.u32 s5  }
0x188: {  	s6 =	spop (v2sf)  }
0x189: {  	s6 =	smul.f32 $1.999999960e-02, s6;
	_ =	sdelay $0x1  }
0x18a: {  	v1 =	vmov s6  }
.Ltmp4:
0x18b: {  	[tilespmem:v0+s2+$0x0] =	vst.idx.msk $0x1, v1;
	(pc) =	sbr.rel @p1 .LBB2_10-.Ltmp4, $4  }
0x18c: {  	s4 =	sadd.s32 $0x80, s4;
	v0 =	vld [tilespmem:$0xDC80]  }
0x18d: {  	v1 =	vld [tilespmem:s4+$0xFFFFFFE0]  }
0x18e: {  	v2 =	vld [tilespmem:s4+$0xFFFFFFF0]  }
0x18f: {  	s5 =	sadd.s32 $0x1, s5;
	v3 =	vld [tilespmem:$0xDC90]  }
0x190: {  	v4 =	vld [tilespmem:s4+$0x0]  }
0x191: {  	v5 =	vld [tilespmem:$0xDCA0]  }
0x192: {  	v6 =	vld [tilespmem:s4+$0x10]  }
0x193: {  	v7 =	vld [tilespmem:$0xDCB0]  }
0x194: {  	v0 =	vmul.f32 v0, v1;
	v29 =	vmul.f32 v3, v2;
	_ =	sdelay $0x1  }
0x195: {  	v30 =	vmul.f32 v5, v4;
	v0 =	vadd.f32 v29, v0;
	_ =	sdelay $0x1  }
0x196: {  	v31 =	vmul.f32 v7, v6;
	v0 =	vadd.f32 v30, v0;
	_ =	sdelay $0x1  }
0x197: {  	v0 =	vadd.f32 v31, v0;
	_ =	sdelay $0x1  }
0x198: {  	(xrf2) =	vadd.scan.msk.f32 $0xffff, v0;
	_ =	sdelay $0x9  }
0x199: {  	v0, _, _ =	vpop (xrf2)  }
0x19a: {  	(v2sf) =	vpush v0, $0xF;
	_ =	sdelay $0xd  }
0x19b: {  	v32 =	vmov s3  }
0x19c: {  	s24 =	spop (v2sf)  }
0x19d: {  	s3 =	smul.f32 $1.999999960e-02, s24;
	_ =	sdelay $0x1  }
0x19e: {  	v33 =	vmov s3  }
0x19f: {  	[tilespmem:v32+s2+$0x0] =	vst.idx.msk $0x1, v33  }
0x1a0: {  	v0 =	vld [tilespmem:$0xDD00];
	_ =	sdelay $0x4  }
0x1a1: {  	v34 =	vand.u32 $0x7FFFFFFF, v0  }
0x1a2: {  	v1 =	vsub.f32 $0.0e+00, v34;
	_ =	sdelay $0x1  }
0x1a3: {  	v1 =	vmul.f32 $1.442695020e+00, v1;
	_ =	sdelay $0x1  }
0x1a4: {  	(erf) = vpow2.f32 v1;
	_ =	sdelay $0x8  }
0x1a5: {  	v1 =	vpop (erf)  }
0x1a6: {  	v35 =	vmul.f32 $4.000000000e+00, v1;
	_ =	sdelay $0x1  }
0x1a7: {  	v2 =	vadd.f32 $6.000000000e+00, v35;
	_ =	sdelay $0x1  }
0x1a8: {  	(erf) = vrcp.f32 v2;
	_ =	sdelay $0x1  }
0x1a9: {  	v36 =	vld [tilespmem:$0xD080]  }
0x1aa: {  	v38 =	vld [tilespmem:$0xD090]  }
0x1ab: {  	v39 =	vld [tilespmem:$0xDC90]  }
0x1ac: {  	v37 =	vld [tilespmem:$0xDC80]  }
0x1ad: {  	v40 =	vld [tilespmem:$0xD0A0];
	v41 =	vadd.f32 $6.000000000e+00, v1  }
0x1ae: {  	v8 =	vld [tilespmem:$0xDCA0]  }
0x1af: {  	v9 =	vld [tilespmem:$0xD0B0];
	v7 =	vmul.f32 v41, v1  }
0x1b0: {  	v42 =	vld [tilespmem:$0xDCB0];
	v4 =	vmul.f32 v39, v38;
	v10 =	vpop (erf)  }
0x1b1: {  	v2 =	vmul.f32 v37, v36;
	v43 =	vmul.f32 v10, v7;
	_ =	sdelay $0x1  }
0x1b2: {  	v44 =	vmul.f32 v8, v40;
	v2 =	vadd.f32 v4, v2;
	v45 =	vsub.f32 $0.0e+00, v43;
	_ =	sdelay $0x1  }
0x1b3: {  	v3 =	vmul.f32 v42, v9;
	v2 =	vadd.f32 v44, v2;
	v46 =	vmul.f32 $1.442695020e+00, v45;
	_ =	sdelay $0x1  }
0x1b4: {  	v2 =	vadd.f32 v3, v2;
	(erf) = vpow2.f32 v46;
	_ =	sdelay $0x1  }
0x1b5: {  	(xrf2) =	vadd.scan.msk.f32 $0xffff, v2;
	_ =	sdelay $0x5  }
0x1b6: {  	v1 =	vadd.f32 $1.000000000e+00, v1  }
0x1b7: {  	v47 =	vpop (erf)  }
0x1b8: {  	v2 =	vmul.f32 v47, v1;
	_ =	sdelay $0x1  }
0x1b9: {  	v48, _, _ =	vpop (xrf2);
	v2 =	vadd.f32 v2, v43  }
0x1ba: {  	(v2sf) =	vpush v48, $0xF  }
0x1bb: {  	v2 =	vadd.f32 $-1.000000000e+00, v2;
	_ =	sdelay $0x1  }
0x1bc: {  	v49 =	vsub.f32 $0.0e+00, v2;
	_ =	sdelay $0x1  }
0x1bd: {  	v3 =	vmul.f32 $1.442695020e+00, v49;
	_ =	sdelay $0x1  }
0x1be: {  	(erf) = vpow2.f32 v3;
	_ =	sdelay $0x7  }
0x1bf: {  	s25 =	spop (v2sf)  }
0x1c0: {  	s2 =	smul.f32 $-1.999999960e-02, s25;
	v3 =	vpop (erf)  }
0x1c1: {  	v50 =	vld [tilespmem:$0xDD10];
	v3 =	vmul.f32 v3, v1  }
0x1c2: {  	s2 =	sadd.f32 $0.0e+00, s2  }
0x1c3: {  	v2 =	vadd.f32 v3, v2  }
0x1c4: {  	vm0 =	vcmask $0x1310;
	v51 =	vmov s2  }
0x1c5: {  	vm15 =	vmmov $0xf;
	v3 =	vnsel vm0, $0xC2C80000, v51;
	v2 =	vadd.f32 $-1.000000000e+00, v2  }
0x1c6: {  	v3 =	vsel vm15, v50, v3  }
0x1c7: {  	v53 =	vand.u32 $0x7FFFFFFF, v3;
	v52 =	vsub.f32 $0.0e+00, v2  }
0x1c8: {  	v5 =	vsub.f32 $0.0e+00, v53  }
0x1c9: {  	v4 =	vmul.f32 $1.442695020e+00, v52  }
0x1ca: {  	v5 =	vmul.f32 $1.442695020e+00, v5  }
0x1cb: {  	(erf) = vpow2.f32 v4  }
0x1cc: {  	(erf) = vpow2.f32 v5;
	_ =	sdelay $0x7  }
0x1cd: {  	v4 =	vpop (erf)  }
0x1ce: {  	v5 =	vpop (erf)  }
0x1cf: {  	v54 =	vmul.f32 $4.000000000e+00, v5;
	_ =	sdelay $0x1  }
0x1d0: {  	v6 =	vadd.f32 $6.000000000e+00, v54;
	_ =	sdelay $0x1  }
0x1d1: {  	(erf) = vrcp.f32 v6;
	_ =	sdelay $0x5  }
0x1d2: {  	v55 =	vadd.f32 $6.000000000e+00, v5;
	_ =	sdelay $0x1  }
0x1d3: {  	v6 =	vmul.f32 v55, v5  }
0x1d4: {  	v56 =	vpop (erf)  }
0x1d5: {  	v6 =	vmul.f32 v56, v6;
	_ =	sdelay $0x1  }
0x1d6: {  	v7 =	vsub.f32 $0.0e+00, v6;
	_ =	sdelay $0x1  }
0x1d7: {  	v7 =	vmul.f32 $1.442695020e+00, v7;
	_ =	sdelay $0x1  }
0x1d8: {  	(erf) = vpow2.f32 v7;
	_ =	sdelay $0x7  }
0x1d9: {  	v5 =	vadd.f32 $1.000000000e+00, v5  }
0x1da: {  	v7 =	vpop (erf)  }
0x1db: {  	v7 =	vmul.f32 v7, v5;
	_ =	sdelay $0x1  }
0x1dc: {  	v6 =	vadd.f32 v7, v6;
	_ =	sdelay $0x1  }
0x1dd: {  	v6 =	vadd.f32 $-1.000000000e+00, v6;
	_ =	sdelay $0x1  }
0x1de: {  	v57 =	vsub.f32 $0.0e+00, v6;
	_ =	sdelay $0x1  }
0x1df: {  	v7 =	vmul.f32 $1.442695020e+00, v57;
	_ =	sdelay $0x1  }
0x1e0: {  	(erf) = vpow2.f32 v7;
	_ =	sdelay $0x8  }
0x1e1: {  	v7 =	vpop (erf)  }
0x1e2: {  	v7 =	vmul.f32 v7, v5;
	_ =	sdelay $0x1  }
0x1e3: {  	v6 =	vadd.f32 v7, v6;
	_ =	sdelay $0x1  }
0x1e4: {  	v6 =	vadd.f32 $-1.000000000e+00, v6;
	_ =	sdelay $0x1  }
0x1e5: {  	v58 =	vsub.f32 $0.0e+00, v6;
	_ =	sdelay $0x1  }
0x1e6: {  	v7 =	vmul.f32 $1.442695020e+00, v58;
	_ =	sdelay $0x1  }
0x1e7: {  	(erf) = vpow2.f32 v7;
	_ =	sdelay $0x8  }
0x1e8: {  	v1 =	vmul.f32 v4, v1;
	v59 =	vpop (erf)  }
0x1e9: {  	v4 =	vmul.f32 v59, v5  }
0x1ea: {  	v1 =	vadd.f32 v1, v2  }
0x1eb: {  	v60 =	vadd.f32 v4, v6  }
0x1ec: {  	v1 =	vadd.f32 $-1.000000000e+00, v1  }
0x1ed: {  	v0 =	vmax.f32 v0, $0.0e+00;
	v2 =	vadd.f32 $-1.000000000e+00, v60  }
0x1ee: {  	v61 =	vmax.f32 v3, $0.0e+00;
	v0 =	vadd.f32 v1, v0  }
0x1ef: {  	v1 =	vadd.f32 v2, v61  }
0x1f0: {  	(xrf2) =	vadd.scan.msk.f32 $0xffff, v0  }
0x1f1: {  	(xrf2) =	vadd.scan.msk.f32 $0xffff, v1;
	_ =	sdelay $0x8  }
0x1f2: {  	v0, _, _ =	vpop (xrf2)  }
0x1f3: {  	(v2sf) =	vpush v0, $0xF;
	v62, _, _ =	vpop (xrf2)  }
0x1f4: {  	(v2sf) =	vpush v62, $0xF;
	_ =	sdelay $0xd  }
0x1f5: {  	s26 =	spop (v2sf)  }
0x1f6: {  	s28 =	spop (v2sf)  }
0x1f7: {  	s2 =	sadd.f32 s28, s26;
	_ =	sdelay $0x1  }
0x1f8: {  	s29 =	simm.s32 $0x0;
	v63 =	vmov s2  }
.Ltmp5:
0x1f9: {  	s30 =	simm.s32 $0xDD80;
	s31 =	simm.s32 $0x3;
	[tilespmem:$0xDD80] =	vst v63;
	(pc) =	sbr.rel .LBB2_12-.Ltmp5, $4  }
0x1fa: {  	[hbm4b:s1+s29] =	stream.linear.scatter [tilespmem:s30], [sflag:$0x3], $0x1, $0x38;
	[tilespmem:$0xDFC0] =	vst v63  }
0x1fb: {  	_ =	swait.ge [sflag:s31], $0x1  }
0x1fc: {  	[sflag:s31] =	ssyncset.done $0x0  }
0x1fd: {  	[sflag:s31] =	ssyncadd.s32 $0xFFFFFFFF  }
.LBB2_7:
0x1fe: {  	s1 =	simm.s32 $0x2  }
0x1ff: {  	_ =	swait.ge [sflag:s1], $0x80  }
0x200: {  	[sflag:s1] =	ssyncset.done $0x0  }
0x201: {  	[sflag:s1] =	ssyncadd.s32 $0xFFFFFF80  }
0x202: {  	_ =	swait.ge [sflag:s1], $0x80  }
0x203: {  	[sflag:s1] =	ssyncset.done $0x0  }
0x204: {  	[sflag:s1] =	ssyncadd.s32 $0xFFFFFF80  }
0x205: {  	[bflag:$0x0] =	sbarrier.arrive $0xFFFF  }
.LBB2_12:
0x206: {  	_ =	sfence.sel $0x180000  }
0x207: {  	[bflag:$0x0] =	sbarrier.arrive $0xFFFF  }
0x208: {  	_ =	strace $0x90000047  }
0x209: {  	s0 =	sadd.s32 @!p0 $0x100000, s0;
	[bflag:$0x2] =	sbarrier.arrive $0xFFFF  }
0x20a: {  	[sflag:s0] =	ssyncadd.tile.s32 @!p0 $0x1;
	_ =	shalt  }
.Lfunc_end2:
_tile_overlayer_lowered:
.L_overlay_start_2:
0x20b: {  	(tag) =	ssettag $0x2  }
0x20c: {  	s0 =	rddreg [dreg:$0x0];
	s2 =	stileid.u32  }
0x20d: {  	s1 =	rddreg [dreg:$0x1];
	p0 =	sne.s32 s2, $0x0  }
0x20e: {  	s3 =	rddreg [dreg:$0x2];
	[bflag:$0x3] =	sbarrier.arrive $0xFFFF;
	s2 =	simm.s32 @!p0 $0x1C03  }
0x20f: {  	[timem:s3], [sflag:s2] =	dma.local @!p0 [hbm:s0], s1  }
0x210: {  	s0 =	simm.s32 @!p0 $0x3  }
0x211: {  	_ =	swait.ge @!p0 [sflag:s0], s1  }
0x212: {  	s1 =	ssub.s32 @!p0 $0x0, s1;
	[sflag:s0] =	ssyncset.done @!p0 $0x0  }
0x213: {  	[sflag:s0] =	ssyncadd.s32 @!p0 s1  }
0x214: {  	[bflag:$0x3] =	sbarrier.arrive $0xFFFF  }
0x215: {  	_ =	shalt  }

</sc_bundles>
